<compile_context>
chip_gen: v7x
topology: tpu7x:2x2x1
jax: 0.10.2.dev20260603
libtpu: 0.0.44.dev20260713+nightly
codegen_flags: <defaults>
</compile_context>

<pallas_src>
import functools

import jax
import jax.numpy as jnp
from jax import lax
from jax.experimental import pallas as pl
from jax.experimental.pallas import tpu as pltpu
from jax.experimental.pallas import tpu_sc as plsc

D_MODEL = 128


@functools.lru_cache(maxsize=None)
def _make_gather(NB, S, V, D):
    info = plsc.get_sparse_core_info()
    NC, NS = info.num_cores, info.num_subcores
    NW = NC * NS
    B = NB * S
    assert B % NW == 0
    b_per_w = B // NW
    cb = 8
    chunk = cb * S
    depth = 2
    assert b_per_w % chunk == 0 and chunk % 8 == 0
    n_chunks = b_per_w // chunk
    nb_per_w = b_per_w // S
    assert n_chunks % depth == 0 and n_chunks >= 2 * depth

    mesh = plsc.VectorSubcoreMesh(core_axis_name="c", subcore_axis_name="s")

    @functools.partial(
        pl.kernel,
        mesh=mesh,
        out_type=jax.ShapeDtypeStruct((NB, S, D), jnp.float32),
        scratch_types=[
            pltpu.VMEM((b_per_w,), jnp.int32),
        ]
        + [pltpu.VMEM((chunk, D), jnp.float32) for _ in range(depth)]
        + [pltpu.SemaphoreType.DMA for _ in range(depth)],
    )
    def gather_kernel(idx_hbm, table_hbm, out_hbm, idx_v, *rest):
        bufs = rest[:depth]
        sems = rest[depth:]
        wid = lax.axis_index("s") * NC + lax.axis_index("c")
        base = wid * b_per_w
        nb_base = wid * nb_per_w
        pltpu.sync_copy(idx_hbm.at[pl.ds(base, b_per_w)], idx_v)

        def start(c, b):
            pltpu.async_copy(
                table_hbm.at[idx_v.at[pl.ds(c * chunk, chunk)]], bufs[b], sems[b]
            )

        def finish(c, b):
            pltpu.make_async_copy(
                table_hbm.at[idx_v.at[pl.ds(c * chunk, chunk)]], bufs[b], sems[b]
            ).wait()
            for j in range(cb):
                pltpu.sync_copy(
                    bufs[b].at[pl.ds(j * S, S)], out_hbm.at[nb_base + c * cb + j]
                )

        for b in range(depth):
            start(b, b)

        def body(g, _):
            for b in range(depth):
                finish(g + b, b)
                start(g + b + depth, b)
            return 0

        lax.fori_loop(0, (n_chunks - depth) // depth, lambda i, c: body(i * depth, c), 0)
        for b in range(depth):
            finish(n_chunks - depth + b, b)

    return gather_kernel


def kernel(tokens, masks, table, pe):
    NB, S = tokens.shape
    idx = tokens.reshape(-1).astype(jnp.int32)
    gather = _make_gather(NB, S, table.shape[0], table.shape[1])
    x = gather(idx, table)
    pos_embed = pe[:S][None, :, :]
    return (x, masks, pos_embed)

# --- scband reference (transcript-rebuilt; emitter-appended) ---
"""Pipeline reference for scband-token-encoder-29927332118986 (READ-ONLY COPY).

The authoritative reference and input builder live on the scoring server;
editing this copy changes nothing except your own understanding.
"""

import jax, jax.numpy as jnp
import numpy as np
from math import log

VOCAB = 1000000
D_MODEL = 128
MAX_LEN = 100


def _make_pe(d_model, max_len):
    position = np.arange(max_len)[:, None].astype(np.float32)
    div_term = np.exp(np.arange(0, d_model, 2).astype(np.float32) * (-log(10000.0) / d_model))
    pe = np.zeros((max_len, d_model), dtype=np.float32)
    pe[:, 0::2] = np.sin(position * div_term)
    pe[:, 1::2] = np.cos(position * div_term)
    return jnp.asarray(pe)


def setup_inputs(seed: int = 0) -> dict:
    key = jax.random.key(seed)
    k1, k2 = jax.random.split(key)
    tokens = jax.random.randint(k1, (4096, 50), 0, VOCAB, dtype=jnp.int64 if jax.config.jax_enable_x64 else jnp.int32)
    masks = jnp.ones((4096, 50), dtype=jnp.bool_)
    table = jax.random.normal(k2, (VOCAB, D_MODEL), dtype=jnp.float32)
    pe = _make_pe(D_MODEL, MAX_LEN)
    return {"tokens": tokens, "masks": masks, "table": table, "pe": pe}


def reference(tokens, masks, table, pe):
    # token embedding lookup (gather)
    x = jnp.take(table, tokens, axis=0)  # [B, S, D]
    # positional encoding buffer slice: pe[:seq_len][None, :, :]
    pos_embed = pe[: tokens.shape[1]][None, :, :]
    return (x, masks, pos_embed)

if __name__ == "__main__":
    import jax
    _d = setup_inputs()
    print(jax.jit(kernel)(*tuple(_d.values())))

</pallas_src>

<mosaic_0001>
#map = affine_map<(d0, d1) -> (0)>
#map1 = affine_map<(d0, d1) -> (0, 0)>
#map2 = affine_map<(d0, d1) -> (0, 0, 0)>
module attributes {stable_mosaic.version = 14 : i64} {
  func.func @gather_kernel(%arg0: i32, %arg1: i32, %arg2: memref<204800xi32, #tpu.memory_space<hbm>>, %arg3: memref<1000000x128xf32, #tpu.memory_space<hbm>>, %arg4: memref<4096x50x128xf32, #tpu.memory_space<hbm>>, %arg5: memref<6400xi32, #tpu.memory_space<vmem>>, %arg6: memref<400x128xf32, #tpu.memory_space<vmem>>, %arg7: memref<400x128xf32, #tpu.memory_space<vmem>>, %arg8: memref<!tpu.dma_semaphore, #tpu.memory_space<semaphore_mem>>, %arg9: memref<!tpu.dma_semaphore, #tpu.memory_space<semaphore_mem>>) attributes {dimension_semantics = [#tpu.dimension_semantics<core_parallel>, #tpu.dimension_semantics<subcore_parallel>], iteration_bounds = array<i64: 2, 16>, scalar_prefetch = 0 : i64, scratch_operands = 5 : i64, tpu.core_type = #tpu.core_type<sc_vector_subcore>, window_params = [{transform_indices = #map}, {transform_indices = #map1}, {transform_indices = #map2}]} {
    %mul3A = arith.constant 2 : i32
    %mul3A_0 = arith.muli %arg1, %mul3A : i32
    %add3A = arith.addi %mul3A_0, %arg0 : i32
    %mul3A_1 = arith.constant 6400 : i32
    %mul3A_2 = arith.muli %add3A, %mul3A_1 : i32
    %mul3A_3 = arith.constant 128 : i32
    %mul3A_4 = arith.muli %add3A, %mul3A_3 : i32
    "tpu.region"() ({
      %run_scoped3A = tpu.sem_alloc : memref<!tpu.dma_semaphore, #tpu.memory_space<semaphore_mem>>
      %dma_start3A_93 = tpu.memref_slice %arg2[%mul3A_2] : memref<204800xi32, #tpu.memory_space<hbm>> -> memref<6400xi32, #tpu.memory_space<hbm>>
      %dma_start3A_94 = tpu.memref_slice %arg2[%mul3A_2] : memref<204800xi32, #tpu.memory_space<hbm>> -> memref<6400xi32, #tpu.memory_space<hbm>>
      tpu.enqueue_dma source(%dma_start3A_94 : memref<6400xi32, #tpu.memory_space<hbm>>) target(%arg5 : memref<6400xi32, #tpu.memory_space<vmem>>) target_semaphore(%run_scoped3A : memref<!tpu.dma_semaphore, #tpu.memory_space<semaphore_mem>>)
      %dma_wait3A_95 = tpu.memref_slice %arg2[%mul3A_2] : memref<204800xi32, #tpu.memory_space<hbm>> -> memref<6400xi32, #tpu.memory_space<hbm>>
      %dma_wait3A_96 = tpu.memref_slice %arg2[%mul3A_2] : memref<204800xi32, #tpu.memory_space<hbm>> -> memref<6400xi32, #tpu.memory_space<hbm>>
      tpu.wait_dma2 semaphore(%run_scoped3A : memref<!tpu.dma_semaphore, #tpu.memory_space<semaphore_mem>>) src(%dma_wait3A_96 : memref<6400xi32, #tpu.memory_space<hbm>>) dst(%arg5 : memref<6400xi32, #tpu.memory_space<vmem>>)
      tpu.yield
    }) : () -> ()
    %dma_start3A = arith.constant 0 : i32
    %dma_start3A_5 = tpu.memref_slice %arg5[%dma_start3A] : memref<6400xi32, #tpu.memory_space<vmem>> -> memref<400xi32, #tpu.memory_space<vmem>>
    %dma_start3A_6 = arith.constant 0 : i32
    %dma_start3A_7 = arith.constant 0 : i32
    %dma_start3A_8 = tpu.memref_slice %arg3[%dma_start3A_6, %dma_start3A_7] : memref<1000000x128xf32, #tpu.memory_space<hbm>> -> memref<1000000x128xf32, #tpu.memory_space<hbm>>
    tpu.enqueue_indirect_dma source(%dma_start3A_8 : memref<1000000x128xf32, #tpu.memory_space<hbm>>) target(%arg6 : memref<400x128xf32, #tpu.memory_space<vmem>>) offsets(%dma_start3A_5 : memref<400xi32, #tpu.memory_space<vmem>>) semaphore(%arg8 : memref<!tpu.dma_semaphore, #tpu.memory_space<semaphore_mem>>)
    %dma_start3A_9 = arith.constant 400 : i32
    %dma_start3A_10 = tpu.memref_slice %arg5[%dma_start3A_9] : memref<6400xi32, #tpu.memory_space<vmem>> -> memref<400xi32, #tpu.memory_space<vmem>>
    %dma_start3A_11 = arith.constant 0 : i32
    %dma_start3A_12 = arith.constant 0 : i32
    %dma_start3A_13 = tpu.memref_slice %arg3[%dma_start3A_11, %dma_start3A_12] : memref<1000000x128xf32, #tpu.memory_space<hbm>> -> memref<1000000x128xf32, #tpu.memory_space<hbm>>
    tpu.enqueue_indirect_dma source(%dma_start3A_13 : memref<1000000x128xf32, #tpu.memory_space<hbm>>) target(%arg7 : memref<400x128xf32, #tpu.memory_space<vmem>>) offsets(%dma_start3A_10 : memref<400xi32, #tpu.memory_space<vmem>>) semaphore(%arg9 : memref<!tpu.dma_semaphore, #tpu.memory_space<semaphore_mem>>)
    %scan3A = arith.constant 0 : i32
    %scan3A_14 = arith.constant 0 : i32
    %scan3A_15 = arith.constant 7 : i32
    %scan3A_16 = arith.addi %scan3A_14, %scan3A_15 : i32
    %scan3A_17 = arith.constant 1 : i32
    %scan3A_18 = scf.for %scan3A_93 = %scan3A_14 to %scan3A_16 step %scan3A_17 iter_args(%scan3A_94 = %scan3A) -> (i32)  : i32 {
      %mul3A_95 = arith.constant 2 : i32
      %mul3A_96 = arith.muli %scan3A_93, %mul3A_95 : i32
      %add3A_97 = arith.constant 0 : i32
      %add3A_98 = arith.addi %mul3A_96, %add3A_97 : i32
      %mul3A_99 = arith.constant 400 : i32
      %mul3A_100 = arith.muli %add3A_98, %mul3A_99 : i32
      %dma_wait3A_101 = tpu.memref_slice %arg5[%mul3A_100] : memref<6400xi32, #tpu.memory_space<vmem>> -> memref<400xi32, #tpu.memory_space<vmem>>
      %dma_wait3A_102 = arith.constant 0 : i32
      %dma_wait3A_103 = arith.constant 0 : i32
      %dma_wait3A_104 = tpu.memref_slice %arg3[%dma_wait3A_102, %dma_wait3A_103] : memref<1000000x128xf32, #tpu.memory_space<hbm>> -> memref<1000000x128xf32, #tpu.memory_space<hbm>>
      tpu.wait_indirect_dma semaphore(%arg8 : memref<!tpu.dma_semaphore, #tpu.memory_space<semaphore_mem>>) src(%dma_wait3A_104 : memref<1000000x128xf32, #tpu.memory_space<hbm>>) dst(%arg6 : memref<400x128xf32, #tpu.memory_space<vmem>>)
      %mul3A_105 = arith.constant 8 : i32
      %mul3A_106 = arith.muli %add3A_98, %mul3A_105 : i32
      %add3A_107 = arith.addi %mul3A_4, %mul3A_106 : i32
      %add3A_108 = arith.constant 0 : i32
      %add3A_109 = arith.addi %add3A_107, %add3A_108 : i32
      "tpu.region"() ({
        %run_scoped3A = tpu.sem_alloc : memref<!tpu.dma_semaphore, #tpu.memory_space<semaphore_mem>>
        %dma_start3A_214 = arith.constant 0 : i32
        %dma_start3A_215 = arith.constant 0 : i32
        %dma_start3A_216 = tpu.memref_slice %arg6[%dma_start3A_214, %dma_start3A_215] : memref<400x128xf32, #tpu.memory_space<vmem>> -> memref<50x128xf32, #tpu.memory_space<vmem>>
        %dma_start3A_217 = arith.constant 0 : i32
        %dma_start3A_218 = arith.constant 0 : i32
        %dma_start3A_219 = tpu.memref_slice %arg4[%add3A_109, %dma_start3A_217, %dma_start3A_218] : memref<4096x50x128xf32, #tpu.memory_space<hbm>> -> memref<1x50x128xf32, #tpu.memory_space<hbm>>
        %dma_start3A_220 = tpu.memref_squeeze %dma_start3A_219 : memref<1x50x128xf32, #tpu.memory_space<hbm>> -> memref<50x128xf32, #tpu.memory_space<hbm>>
        %dma_start3A_221 = arith.constant 0 : i32
        %dma_start3A_222 = arith.constant 0 : i32
        %dma_start3A_223 = tpu.memref_slice %arg4[%add3A_109, %dma_start3A_221, %dma_start3A_222] : memref<4096x50x128xf32, #tpu.memory_space<hbm>> -> memref<1x50x128xf32, #tpu.memory_space<hbm>>
        %dma_start3A_224 = tpu.memref_squeeze %dma_start3A_223 : memref<1x50x128xf32, #tpu.memory_space<hbm>> -> memref<50x128xf32, #tpu.memory_space<hbm>>
        %dma_start3A_225 = arith.constant 0 : i32
        %dma_start3A_226 = arith.constant 0 : i32
        %dma_start3A_227 = tpu.memref_slice %arg6[%dma_start3A_225, %dma_start3A_226] : memref<400x128xf32, #tpu.memory_space<vmem>> -> memref<50x128xf32, #tpu.memory_space<vmem>>
        tpu.enqueue_dma source(%dma_start3A_227 : memref<50x128xf32, #tpu.memory_space<vmem>>) target(%dma_start3A_224 : memref<50x128xf32, #tpu.memory_space<hbm>>) target_semaphore(%run_scoped3A : memref<!tpu.dma_semaphore, #tpu.memory_space<semaphore_mem>>)
        %dma_wait3A_228 = arith.constant 0 : i32
        %dma_wait3A_229 = arith.constant 0 : i32
        %dma_wait3A_230 = tpu.memref_slice %arg6[%dma_wait3A_228, %dma_wait3A_229] : memref<400x128xf32, #tpu.memory_space<vmem>> -> memref<50x128xf32, #tpu.memory_space<vmem>>
        %dma_wait3A_231 = arith.constant 0 : i32
        %dma_wait3A_232 = arith.constant 0 : i32
        %dma_wait3A_233 = tpu.memref_slice %arg4[%add3A_109, %dma_wait3A_231, %dma_wait3A_232] : memref<4096x50x128xf32, #tpu.memory_space<hbm>> -> memref<1x50x128xf32, #tpu.memory_space<hbm>>
        %dma_wait3A_234 = tpu.memref_squeeze %dma_wait3A_233 : memref<1x50x128xf32, #tpu.memory_space<hbm>> -> memref<50x128xf32, #tpu.memory_space<hbm>>
        %dma_wait3A_235 = arith.constant 0 : i32
        %dma_wait3A_236 = arith.constant 0 : i32
        %dma_wait3A_237 = tpu.memref_slice %arg4[%add3A_109, %dma_wait3A_235, %dma_wait3A_236] : memref<4096x50x128xf32, #tpu.memory_space<hbm>> -> memref<1x50x128xf32, #tpu.memory_space<hbm>>
        %dma_wait3A_238 = tpu.memref_squeeze %dma_wait3A_237 : memref<1x50x128xf32, #tpu.memory_space<hbm>> -> memref<50x128xf32, #tpu.memory_space<hbm>>
        %dma_wait3A_239 = arith.constant 0 : i32
        %dma_wait3A_240 = arith.constant 0 : i32
        %dma_wait3A_241 = tpu.memref_slice %arg6[%dma_wait3A_239, %dma_wait3A_240] : memref<400x128xf32, #tpu.memory_space<vmem>> -> memref<50x128xf32, #tpu.memory_space<vmem>>
        tpu.wait_dma2 semaphore(%run_scoped3A : memref<!tpu.dma_semaphore, #tpu.memory_space<semaphore_mem>>) src(%dma_wait3A_241 : memref<50x128xf32, #tpu.memory_space<vmem>>) dst(%dma_wait3A_238 : memref<50x128xf32, #tpu.memory_space<hbm>>)
        tpu.yield
      }) : () -> ()
      %mul3A_110 = arith.constant 8 : i32
      %mul3A_111 = arith.muli %add3A_98, %mul3A_110 : i32
      %add3A_112 = arith.addi %mul3A_4, %mul3A_111 : i32
      %add3A_113 = arith.constant 1 : i32
      %add3A_114 = arith.addi %add3A_112, %add3A_113 : i32
      "tpu.region"() ({
        %run_scoped3A = tpu.sem_alloc : memref<!tpu.dma_semaphore, #tpu.memory_space<semaphore_mem>>
        %dma_start3A_214 = arith.constant 50 : i32
        %dma_start3A_215 = arith.constant 0 : i32
        %dma_start3A_216 = tpu.memref_slice %arg6[%dma_start3A_214, %dma_start3A_215] : memref<400x128xf32, #tpu.memory_space<vmem>> -> memref<50x128xf32, #tpu.memory_space<vmem>>
        %dma_start3A_217 = arith.constant 0 : i32
        %dma_start3A_218 = arith.constant 0 : i32
        %dma_start3A_219 = tpu.memref_slice %arg4[%add3A_114, %dma_start3A_217, %dma_start3A_218] : memref<4096x50x128xf32, #tpu.memory_space<hbm>> -> memref<1x50x128xf32, #tpu.memory_space<hbm>>
        %dma_start3A_220 = tpu.memref_squeeze %dma_start3A_219 : memref<1x50x128xf32, #tpu.memory_space<hbm>> -> memref<50x128xf32, #tpu.memory_space<hbm>>
        %dma_start3A_221 = arith.constant 0 : i32
        %dma_start3A_222 = arith.constant 0 : i32
        %dma_start3A_223 = tpu.memref_slice %arg4[%add3A_114, %dma_start3A_221, %dma_start3A_222] : memref<4096x50x128xf32, #tpu.memory_space<hbm>> -> memref<1x50x128xf32, #tpu.memory_space<hbm>>
        %dma_start3A_224 = tpu.memref_squeeze %dma_start3A_223 : memref<1x50x128xf32, #tpu.memory_space<hbm>> -> memref<50x128xf32, #tpu.memory_space<hbm>>
        %dma_start3A_225 = arith.constant 50 : i32
        %dma_start3A_226 = arith.constant 0 : i32
        %dma_start3A_227 = tpu.memref_slice %arg6[%dma_start3A_225, %dma_start3A_226] : memref<400x128xf32, #tpu.memory_space<vmem>> -> memref<50x128xf32, #tpu.memory_space<vmem>>
        tpu.enqueue_dma source(%dma_start3A_227 : memref<50x128xf32, #tpu.memory_space<vmem>>) target(%dma_start3A_224 : memref<50x128xf32, #tpu.memory_space<hbm>>) target_semaphore(%run_scoped3A : memref<!tpu.dma_semaphore, #tpu.memory_space<semaphore_mem>>)
        %dma_wait3A_228 = arith.constant 50 : i32
        %dma_wait3A_229 = arith.constant 0 : i32
        %dma_wait3A_230 = tpu.memref_slice %arg6[%dma_wait3A_228, %dma_wait3A_229] : memref<400x128xf32, #tpu.memory_space<vmem>> -> memref<50x128xf32, #tpu.memory_space<vmem>>
        %dma_wait3A_231 = arith.constant 0 : i32
        %dma_wait3A_232 = arith.constant 0 : i32
        %dma_wait3A_233 = tpu.memref_slice %arg4[%add3A_114, %dma_wait3A_231, %dma_wait3A_232] : memref<4096x50x128xf32, #tpu.memory_space<hbm>> -> memref<1x50x128xf32, #tpu.memory_space<hbm>>
        %dma_wait3A_234 = tpu.memref_squeeze %dma_wait3A_233 : memref<1x50x128xf32, #tpu.memory_space<hbm>> -> memref<50x128xf32, #tpu.memory_space<hbm>>
        %dma_wait3A_235 = arith.constant 0 : i32
        %dma_wait3A_236 = arith.constant 0 : i32
        %dma_wait3A_237 = tpu.memref_slice %arg4[%add3A_114, %dma_wait3A_235, %dma_wait3A_236] : memref<4096x50x128xf32, #tpu.memory_space<hbm>> -> memref<1x50x128xf32, #tpu.memory_space<hbm>>
        %dma_wait3A_238 = tpu.memref_squeeze %dma_wait3A_237 : memref<1x50x128xf32, #tpu.memory_space<hbm>> -> memref<50x128xf32, #tpu.memory_space<hbm>>
        %dma_wait3A_239 = arith.constant 50 : i32
        %dma_wait3A_240 = arith.constant 0 : i32
        %dma_wait3A_241 = tpu.memref_slice %arg6[%dma_wait3A_239, %dma_wait3A_240] : memref<400x128xf32, #tpu.memory_space<vmem>> -> memref<50x128xf32, #tpu.memory_space<vmem>>
        tpu.wait_dma2 semaphore(%run_scoped3A : memref<!tpu.dma_semaphore, #tpu.memory_space<semaphore_mem>>) src(%dma_wait3A_241 : memref<50x128xf32, #tpu.memory_space<vmem>>) dst(%dma_wait3A_238 : memref<50x128xf32, #tpu.memory_space<hbm>>)
        tpu.yield
      }) : () -> ()
      %mul3A_115 = arith.constant 8 : i32
      %mul3A_116 = arith.muli %add3A_98, %mul3A_115 : i32
      %add3A_117 = arith.addi %mul3A_4, %mul3A_116 : i32
      %add3A_118 = arith.constant 2 : i32
      %add3A_119 = arith.addi %add3A_117, %add3A_118 : i32
      "tpu.region"() ({
        %run_scoped3A = tpu.sem_alloc : memref<!tpu.dma_semaphore, #tpu.memory_space<semaphore_mem>>
        %dma_start3A_214 = arith.constant 100 : i32
        %dma_start3A_215 = arith.constant 0 : i32
        %dma_start3A_216 = tpu.memref_slice %arg6[%dma_start3A_214, %dma_start3A_215] : memref<400x128xf32, #tpu.memory_space<vmem>> -> memref<50x128xf32, #tpu.memory_space<vmem>>
        %dma_start3A_217 = arith.constant 0 : i32
        %dma_start3A_218 = arith.constant 0 : i32
        %dma_start3A_219 = tpu.memref_slice %arg4[%add3A_119, %dma_start3A_217, %dma_start3A_218] : memref<4096x50x128xf32, #tpu.memory_space<hbm>> -> memref<1x50x128xf32, #tpu.memory_space<hbm>>
        %dma_start3A_220 = tpu.memref_squeeze %dma_start3A_219 : memref<1x50x128xf32, #tpu.memory_space<hbm>> -> memref<50x128xf32, #tpu.memory_space<hbm>>
        %dma_start3A_221 = arith.constant 0 : i32
        %dma_start3A_222 = arith.constant 0 : i32
        %dma_start3A_223 = tpu.memref_slice %arg4[%add3A_119, %dma_start3A_221, %dma_start3A_222] : memref<4096x50x128xf32, #tpu.memory_space<hbm>> -> memref<1x50x128xf32, #tpu.memory_space<hbm>>
        %dma_start3A_224 = tpu.memref_squeeze %dma_start3A_223 : memref<1x50x128xf32, #tpu.memory_space<hbm>> -> memref<50x128xf32, #tpu.memory_space<hbm>>
        %dma_start3A_225 = arith.constant 100 : i32
        %dma_start3A_226 = arith.constant 0 : i32
        %dma_start3A_227 = tpu.memref_slice %arg6[%dma_start3A_225, %dma_start3A_226] : memref<400x128xf32, #tpu.memory_space<vmem>> -> memref<50x128xf32, #tpu.memory_space<vmem>>
        tpu.enqueue_dma source(%dma_start3A_227 : memref<50x128xf32, #tpu.memory_space<vmem>>) target(%dma_start3A_224 : memref<50x128xf32, #tpu.memory_space<hbm>>) target_semaphore(%run_scoped3A : memref<!tpu.dma_semaphore, #tpu.memory_space<semaphore_mem>>)
        %dma_wait3A_228 = arith.constant 100 : i32
        %dma_wait3A_229 = arith.constant 0 : i32
        %dma_wait3A_230 = tpu.memref_slice %arg6[%dma_wait3A_228, %dma_wait3A_229] : memref<400x128xf32, #tpu.memory_space<vmem>> -> memref<50x128xf32, #tpu.memory_space<vmem>>
        %dma_wait3A_231 = arith.constant 0 : i32
        %dma_wait3A_232 = arith.constant 0 : i32
        %dma_wait3A_233 = tpu.memref_slice %arg4[%add3A_119, %dma_wait3A_231, %dma_wait3A_232] : memref<4096x50x128xf32, #tpu.memory_space<hbm>> -> memref<1x50x128xf32, #tpu.memory_space<hbm>>
        %dma_wait3A_234 = tpu.memref_squeeze %dma_wait3A_233 : memref<1x50x128xf32, #tpu.memory_space<hbm>> -> memref<50x128xf32, #tpu.memory_space<hbm>>
        %dma_wait3A_235 = arith.constant 0 : i32
        %dma_wait3A_236 = arith.constant 0 : i32
        %dma_wait3A_237 = tpu.memref_slice %arg4[%add3A_119, %dma_wait3A_235, %dma_wait3A_236] : memref<4096x50x128xf32, #tpu.memory_space<hbm>> -> memref<1x50x128xf32, #tpu.memory_space<hbm>>
        %dma_wait3A_238 = tpu.memref_squeeze %dma_wait3A_237 : memref<1x50x128xf32, #tpu.memory_space<hbm>> -> memref<50x128xf32, #tpu.memory_space<hbm>>
        %dma_wait3A_239 = arith.constant 100 : i32
        %dma_wait3A_240 = arith.constant 0 : i32
        %dma_wait3A_241 = tpu.memref_slice %arg6[%dma_wait3A_239, %dma_wait3A_240] : memref<400x128xf32, #tpu.memory_space<vmem>> -> memref<50x128xf32, #tpu.memory_space<vmem>>
        tpu.wait_dma2 semaphore(%run_scoped3A : memref<!tpu.dma_semaphore, #tpu.memory_space<semaphore_mem>>) src(%dma_wait3A_241 : memref<50x128xf32, #tpu.memory_space<vmem>>) dst(%dma_wait3A_238 : memref<50x128xf32, #tpu.memory_space<hbm>>)
        tpu.yield
      }) : () -> ()
      %mul3A_120 = arith.constant 8 : i32
      %mul3A_121 = arith.muli %add3A_98, %mul3A_120 : i32
      %add3A_122 = arith.addi %mul3A_4, %mul3A_121 : i32
      %add3A_123 = arith.constant 3 : i32
      %add3A_124 = arith.addi %add3A_122, %add3A_123 : i32
      "tpu.region"() ({
        %run_scoped3A = tpu.sem_alloc : memref<!tpu.dma_semaphore, #tpu.memory_space<semaphore_mem>>
        %dma_start3A_214 = arith.constant 150 : i32
        %dma_start3A_215 = arith.constant 0 : i32
        %dma_start3A_216 = tpu.memref_slice %arg6[%dma_start3A_214, %dma_start3A_215] : memref<400x128xf32, #tpu.memory_space<vmem>> -> memref<50x128xf32, #tpu.memory_space<vmem>>
        %dma_start3A_217 = arith.constant 0 : i32
        %dma_start3A_218 = arith.constant 0 : i32
        %dma_start3A_219 = tpu.memref_slice %arg4[%add3A_124, %dma_start3A_217, %dma_start3A_218] : memref<4096x50x128xf32, #tpu.memory_space<hbm>> -> memref<1x50x128xf32, #tpu.memory_space<hbm>>
        %dma_start3A_220 = tpu.memref_squeeze %dma_start3A_219 : memref<1x50x128xf32, #tpu.memory_space<hbm>> -> memref<50x128xf32, #tpu.memory_space<hbm>>
        %dma_start3A_221 = arith.constant 0 : i32
        %dma_start3A_222 = arith.constant 0 : i32
        %dma_start3A_223 = tpu.memref_slice %arg4[%add3A_124, %dma_start3A_221, %dma_start3A_222] : memref<4096x50x128xf32, #tpu.memory_space<hbm>> -> memref<1x50x128xf32, #tpu.memory_space<hbm>>
        %dma_start3A_224 = tpu.memref_squeeze %dma_start3A_223 : memref<1x50x128xf32, #tpu.memory_space<hbm>> -> memref<50x128xf32, #tpu.memory_space<hbm>>
        %dma_start3A_225 = arith.constant 150 : i32
        %dma_start3A_226 = arith.constant 0 : i32
        %dma_start3A_227 = tpu.memref_slice %arg6[%dma_start3A_225, %dma_start3A_226] : memref<400x128xf32, #tpu.memory_space<vmem>> -> memref<50x128xf32, #tpu.memory_space<vmem>>
        tpu.enqueue_dma source(%dma_start3A_227 : memref<50x128xf32, #tpu.memory_space<vmem>>) target(%dma_start3A_224 : memref<50x128xf32, #tpu.memory_space<hbm>>) target_semaphore(%run_scoped3A : memref<!tpu.dma_semaphore, #tpu.memory_space<semaphore_mem>>)
        %dma_wait3A_228 = arith.constant 150 : i32
        %dma_wait3A_229 = arith.constant 0 : i32
        %dma_wait3A_230 = tpu.memref_slice %arg6[%dma_wait3A_228, %dma_wait3A_229] : memref<400x128xf32, #tpu.memory_space<vmem>> -> memref<50x128xf32, #tpu.memory_space<vmem>>
        %dma_wait3A_231 = arith.constant 0 : i32
        %dma_wait3A_232 = arith.constant 0 : i32
        %dma_wait3A_233 = tpu.memref_slice %arg4[%add3A_124, %dma_wait3A_231, %dma_wait3A_232] : memref<4096x50x128xf32, #tpu.memory_space<hbm>> -> memref<1x50x128xf32, #tpu.memory_space<hbm>>
        %dma_wait3A_234 = tpu.memref_squeeze %dma_wait3A_233 : memref<1x50x128xf32, #tpu.memory_space<hbm>> -> memref<50x128xf32, #tpu.memory_space<hbm>>
        %dma_wait3A_235 = arith.constant 0 : i32
        %dma_wait3A_236 = arith.constant 0 : i32
        %dma_wait3A_237 = tpu.memref_slice %arg4[%add3A_124, %dma_wait3A_235, %dma_wait3A_236] : memref<4096x50x128xf32, #tpu.memory_space<hbm>> -> memref<1x50x128xf32, #tpu.memory_space<hbm>>
        %dma_wait3A_238 = tpu.memref_squeeze %dma_wait3A_237 : memref<1x50x128xf32, #tpu.memory_space<hbm>> -> memref<50x128xf32, #tpu.memory_space<hbm>>
        %dma_wait3A_239 = arith.constant 150 : i32
        %dma_wait3A_240 = arith.constant 0 : i32
        %dma_wait3A_241 = tpu.memref_slice %arg6[%dma_wait3A_239, %dma_wait3A_240] : memref<400x128xf32, #tpu.memory_space<vmem>> -> memref<50x128xf32, #tpu.memory_space<vmem>>
        tpu.wait_dma2 semaphore(%run_scoped3A : memref<!tpu.dma_semaphore, #tpu.memory_space<semaphore_mem>>) src(%dma_wait3A_241 : memref<50x128xf32, #tpu.memory_space<vmem>>) dst(%dma_wait3A_238 : memref<50x128xf32, #tpu.memory_space<hbm>>)
        tpu.yield
      }) : () -> ()
      %mul3A_125 = arith.constant 8 : i32
      %mul3A_126 = arith.muli %add3A_98, %mul3A_125 : i32
      %add3A_127 = arith.addi %mul3A_4, %mul3A_126 : i32
      %add3A_128 = arith.constant 4 : i32
      %add3A_129 = arith.addi %add3A_127, %add3A_128 : i32
      "tpu.region"() ({
        %run_scoped3A = tpu.sem_alloc : memref<!tpu.dma_semaphore, #tpu.memory_space<semaphore_mem>>
        %dma_start3A_214 = arith.constant 200 : i32
        %dma_start3A_215 = arith.constant 0 : i32
        %dma_start3A_216 = tpu.memref_slice %arg6[%dma_start3A_214, %dma_start3A_215] : memref<400x128xf32, #tpu.memory_space<vmem>> -> memref<50x128xf32, #tpu.memory_space<vmem>>
        %dma_start3A_217 = arith.constant 0 : i32
        %dma_start3A_218 = arith.constant 0 : i32
        %dma_start3A_219 = tpu.memref_slice %arg4[%add3A_129, %dma_start3A_217, %dma_start3A_218] : memref<4096x50x128xf32, #tpu.memory_space<hbm>> -> memref<1x50x128xf32, #tpu.memory_space<hbm>>
        %dma_start3A_220 = tpu.memref_squeeze %dma_start3A_219 : memref<1x50x128xf32, #tpu.memory_space<hbm>> -> memref<50x128xf32, #tpu.memory_space<hbm>>
        %dma_start3A_221 = arith.constant 0 : i32
        %dma_start3A_222 = arith.constant 0 : i32
        %dma_start3A_223 = tpu.memref_slice %arg4[%add3A_129, %dma_start3A_221, %dma_start3A_222] : memref<4096x50x128xf32, #tpu.memory_space<hbm>> -> memref<1x50x128xf32, #tpu.memory_space<hbm>>
        %dma_start3A_224 = tpu.memref_squeeze %dma_start3A_223 : memref<1x50x128xf32, #tpu.memory_space<hbm>> -> memref<50x128xf32, #tpu.memory_space<hbm>>
        %dma_start3A_225 = arith.constant 200 : i32
        %dma_start3A_226 = arith.constant 0 : i32
        %dma_start3A_227 = tpu.memref_slice %arg6[%dma_start3A_225, %dma_start3A_226] : memref<400x128xf32, #tpu.memory_space<vmem>> -> memref<50x128xf32, #tpu.memory_space<vmem>>
        tpu.enqueue_dma source(%dma_start3A_227 : memref<50x128xf32, #tpu.memory_space<vmem>>) target(%dma_start3A_224 : memref<50x128xf32, #tpu.memory_space<hbm>>) target_semaphore(%run_scoped3A : memref<!tpu.dma_semaphore, #tpu.memory_space<semaphore_mem>>)
        %dma_wait3A_228 = arith.constant 200 : i32
        %dma_wait3A_229 = arith.constant 0 : i32
        %dma_wait3A_230 = tpu.memref_slice %arg6[%dma_wait3A_228, %dma_wait3A_229] : memref<400x128xf32, #tpu.memory_space<vmem>> -> memref<50x128xf32, #tpu.memory_space<vmem>>
        %dma_wait3A_231 = arith.constant 0 : i32
        %dma_wait3A_232 = arith.constant 0 : i32
        %dma_wait3A_233 = tpu.memref_slice %arg4[%add3A_129, %dma_wait3A_231, %dma_wait3A_232] : memref<4096x50x128xf32, #tpu.memory_space<hbm>> -> memref<1x50x128xf32, #tpu.memory_space<hbm>>
        %dma_wait3A_234 = tpu.memref_squeeze %dma_wait3A_233 : memref<1x50x128xf32, #tpu.memory_space<hbm>> -> memref<50x128xf32, #tpu.memory_space<hbm>>
        %dma_wait3A_235 = arith.constant 0 : i32
        %dma_wait3A_236 = arith.constant 0 : i32
        %dma_wait3A_237 = tpu.memref_slice %arg4[%add3A_129, %dma_wait3A_235, %dma_wait3A_236] : memref<4096x50x128xf32, #tpu.memory_space<hbm>> -> memref<1x50x128xf32, #tpu.memory_space<hbm>>
        %dma_wait3A_238 = tpu.memref_squeeze %dma_wait3A_237 : memref<1x50x128xf32, #tpu.memory_space<hbm>> -> memref<50x128xf32, #tpu.memory_space<hbm>>
        %dma_wait3A_239 = arith.constant 200 : i32
        %dma_wait3A_240 = arith.constant 0 : i32
        %dma_wait3A_241 = tpu.memref_slice %arg6[%dma_wait3A_239, %dma_wait3A_240] : memref<400x128xf32, #tpu.memory_space<vmem>> -> memref<50x128xf32, #tpu.memory_space<vmem>>
        tpu.wait_dma2 semaphore(%run_scoped3A : memref<!tpu.dma_semaphore, #tpu.memory_space<semaphore_mem>>) src(%dma_wait3A_241 : memref<50x128xf32, #tpu.memory_space<vmem>>) dst(%dma_wait3A_238 : memref<50x128xf32, #tpu.memory_space<hbm>>)
        tpu.yield
      }) : () -> ()
      %mul3A_130 = arith.constant 8 : i32
      %mul3A_131 = arith.muli %add3A_98, %mul3A_130 : i32
      %add3A_132 = arith.addi %mul3A_4, %mul3A_131 : i32
      %add3A_133 = arith.constant 5 : i32
      %add3A_134 = arith.addi %add3A_132, %add3A_133 : i32
      "tpu.region"() ({
        %run_scoped3A = tpu.sem_alloc : memref<!tpu.dma_semaphore, #tpu.memory_space<semaphore_mem>>
        %dma_start3A_214 = arith.constant 250 : i32
        %dma_start3A_215 = arith.constant 0 : i32
        %dma_start3A_216 = tpu.memref_slice %arg6[%dma_start3A_214, %dma_start3A_215] : memref<400x128xf32, #tpu.memory_space<vmem>> -> memref<50x128xf32, #tpu.memory_space<vmem>>
        %dma_start3A_217 = arith.constant 0 : i32
        %dma_start3A_218 = arith.constant 0 : i32
        %dma_start3A_219 = tpu.memref_slice %arg4[%add3A_134, %dma_start3A_217, %dma_start3A_218] : memref<4096x50x128xf32, #tpu.memory_space<hbm>> -> memref<1x50x128xf32, #tpu.memory_space<hbm>>
        %dma_start3A_220 = tpu.memref_squeeze %dma_start3A_219 : memref<1x50x128xf32, #tpu.memory_space<hbm>> -> memref<50x128xf32, #tpu.memory_space<hbm>>
        %dma_start3A_221 = arith.constant 0 : i32
        %dma_start3A_222 = arith.constant 0 : i32
        %dma_start3A_223 = tpu.memref_slice %arg4[%add3A_134, %dma_start3A_221, %dma_start3A_222] : memref<4096x50x128xf32, #tpu.memory_space<hbm>> -> memref<1x50x128xf32, #tpu.memory_space<hbm>>
        %dma_start3A_224 = tpu.memref_squeeze %dma_start3A_223 : memref<1x50x128xf32, #tpu.memory_space<hbm>> -> memref<50x128xf32, #tpu.memory_space<hbm>>
        %dma_start3A_225 = arith.constant 250 : i32
        %dma_start3A_226 = arith.constant 0 : i32
        %dma_start3A_227 = tpu.memref_slice %arg6[%dma_start3A_225, %dma_start3A_226] : memref<400x128xf32, #tpu.memory_space<vmem>> -> memref<50x128xf32, #tpu.memory_space<vmem>>
        tpu.enqueue_dma source(%dma_start3A_227 : memref<50x128xf32, #tpu.memory_space<vmem>>) target(%dma_start3A_224 : memref<50x128xf32, #tpu.memory_space<hbm>>) target_semaphore(%run_scoped3A : memref<!tpu.dma_semaphore, #tpu.memory_space<semaphore_mem>>)
        %dma_wait3A_228 = arith.constant 250 : i32
        %dma_wait3A_229 = arith.constant 0 : i32
        %dma_wait3A_230 = tpu.memref_slice %arg6[%dma_wait3A_228, %dma_wait3A_229] : memref<400x128xf32, #tpu.memory_space<vmem>> -> memref<50x128xf32, #tpu.memory_space<vmem>>
        %dma_wait3A_231 = arith.constant 0 : i32
        %dma_wait3A_232 = arith.constant 0 : i32
        %dma_wait3A_233 = tpu.memref_slice %arg4[%add3A_134, %dma_wait3A_231, %dma_wait3A_232] : memref<4096x50x128xf32, #tpu.memory_space<hbm>> -> memref<1x50x128xf32, #tpu.memory_space<hbm>>
        %dma_wait3A_234 = tpu.memref_squeeze %dma_wait3A_233 : memref<1x50x128xf32, #tpu.memory_space<hbm>> -> memref<50x128xf32, #tpu.memory_space<hbm>>
        %dma_wait3A_235 = arith.constant 0 : i32
        %dma_wait3A_236 = arith.constant 0 : i32
        %dma_wait3A_237 = tpu.memref_slice %arg4[%add3A_134, %dma_wait3A_235, %dma_wait3A_236] : memref<4096x50x128xf32, #tpu.memory_space<hbm>> -> memref<1x50x128xf32, #tpu.memory_space<hbm>>
        %dma_wait3A_238 = tpu.memref_squeeze %dma_wait3A_237 : memref<1x50x128xf32, #tpu.memory_space<hbm>> -> memref<50x128xf32, #tpu.memory_space<hbm>>
        %dma_wait3A_239 = arith.constant 250 : i32
        %dma_wait3A_240 = arith.constant 0 : i32
        %dma_wait3A_241 = tpu.memref_slice %arg6[%dma_wait3A_239, %dma_wait3A_240] : memref<400x128xf32, #tpu.memory_space<vmem>> -> memref<50x128xf32, #tpu.memory_space<vmem>>
        tpu.wait_dma2 semaphore(%run_scoped3A : memref<!tpu.dma_semaphore, #tpu.memory_space<semaphore_mem>>) src(%dma_wait3A_241 : memref<50x128xf32, #tpu.memory_space<vmem>>) dst(%dma_wait3A_238 : memref<50x128xf32, #tpu.memory_space<hbm>>)
        tpu.yield
      }) : () -> ()
      %mul3A_135 = arith.constant 8 : i32
      %mul3A_136 = arith.muli %add3A_98, %mul3A_135 : i32
      %add3A_137 = arith.addi %mul3A_4, %mul3A_136 : i32
      %add3A_138 = arith.constant 6 : i32
      %add3A_139 = arith.addi %add3A_137, %add3A_138 : i32
      "tpu.region"() ({
        %run_scoped3A = tpu.sem_alloc : memref<!tpu.dma_semaphore, #tpu.memory_space<semaphore_mem>>
        %dma_start3A_214 = arith.constant 300 : i32
        %dma_start3A_215 = arith.constant 0 : i32
        %dma_start3A_216 = tpu.memref_slice %arg6[%dma_start3A_214, %dma_start3A_215] : memref<400x128xf32, #tpu.memory_space<vmem>> -> memref<50x128xf32, #tpu.memory_space<vmem>>
        %dma_start3A_217 = arith.constant 0 : i32
        %dma_start3A_218 = arith.constant 0 : i32
        %dma_start3A_219 = tpu.memref_slice %arg4[%add3A_139, %dma_start3A_217, %dma_start3A_218] : memref<4096x50x128xf32, #tpu.memory_space<hbm>> -> memref<1x50x128xf32, #tpu.memory_space<hbm>>
        %dma_start3A_220 = tpu.memref_squeeze %dma_start3A_219 : memref<1x50x128xf32, #tpu.memory_space<hbm>> -> memref<50x128xf32, #tpu.memory_space<hbm>>
        %dma_start3A_221 = arith.constant 0 : i32
        %dma_start3A_222 = arith.constant 0 : i32
        %dma_start3A_223 = tpu.memref_slice %arg4[%add3A_139, %dma_start3A_221, %dma_start3A_222] : memref<4096x50x128xf32, #tpu.memory_space<hbm>> -> memref<1x50x128xf32, #tpu.memory_space<hbm>>
        %dma_start3A_224 = tpu.memref_squeeze %dma_start3A_223 : memref<1x50x128xf32, #tpu.memory_space<hbm>> -> memref<50x128xf32, #tpu.memory_space<hbm>>
        %dma_start3A_225 = arith.constant 300 : i32
        %dma_start3A_226 = arith.constant 0 : i32
        %dma_start3A_227 = tpu.memref_slice %arg6[%dma_start3A_225, %dma_start3A_226] : memref<400x128xf32, #tpu.memory_space<vmem>> -> memref<50x128xf32, #tpu.memory_space<vmem>>
        tpu.enqueue_dma source(%dma_start3A_227 : memref<50x128xf32, #tpu.memory_space<vmem>>) target(%dma_start3A_224 : memref<50x128xf32, #tpu.memory_space<hbm>>) target_semaphore(%run_scoped3A : memref<!tpu.dma_semaphore, #tpu.memory_space<semaphore_mem>>)
        %dma_wait3A_228 = arith.constant 300 : i32
        %dma_wait3A_229 = arith.constant 0 : i32
        %dma_wait3A_230 = tpu.memref_slice %arg6[%dma_wait3A_228, %dma_wait3A_229] : memref<400x128xf32, #tpu.memory_space<vmem>> -> memref<50x128xf32, #tpu.memory_space<vmem>>
        %dma_wait3A_231 = arith.constant 0 : i32
        %dma_wait3A_232 = arith.constant 0 : i32
        %dma_wait3A_233 = tpu.memref_slice %arg4[%add3A_139, %dma_wait3A_231, %dma_wait3A_232] : memref<4096x50x128xf32, #tpu.memory_space<hbm>> -> memref<1x50x128xf32, #tpu.memory_space<hbm>>
        %dma_wait3A_234 = tpu.memref_squeeze %dma_wait3A_233 : memref<1x50x128xf32, #tpu.memory_space<hbm>> -> memref<50x128xf32, #tpu.memory_space<hbm>>
        %dma_wait3A_235 = arith.constant 0 : i32
        %dma_wait3A_236 = arith.constant 0 : i32
        %dma_wait3A_237 = tpu.memref_slice %arg4[%add3A_139, %dma_wait3A_235, %dma_wait3A_236] : memref<4096x50x128xf32, #tpu.memory_space<hbm>> -> memref<1x50x128xf32, #tpu.memory_space<hbm>>
        %dma_wait3A_238 = tpu.memref_squeeze %dma_wait3A_237 : memref<1x50x128xf32, #tpu.memory_space<hbm>> -> memref<50x128xf32, #tpu.memory_space<hbm>>
        %dma_wait3A_239 = arith.constant 300 : i32
        %dma_wait3A_240 = arith.constant 0 : i32
        %dma_wait3A_241 = tpu.memref_slice %arg6[%dma_wait3A_239, %dma_wait3A_240] : memref<400x128xf32, #tpu.memory_space<vmem>> -> memref<50x128xf32, #tpu.memory_space<vmem>>
        tpu.wait_dma2 semaphore(%run_scoped3A : memref<!tpu.dma_semaphore, #tpu.memory_space<semaphore_mem>>) src(%dma_wait3A_241 : memref<50x128xf32, #tpu.memory_space<vmem>>) dst(%dma_wait3A_238 : memref<50x128xf32, #tpu.memory_space<hbm>>)
        tpu.yield
      }) : () -> ()
      %mul3A_140 = arith.constant 8 : i32
      %mul3A_141 = arith.muli %add3A_98, %mul3A_140 : i32
      %add3A_142 = arith.addi %mul3A_4, %mul3A_141 : i32
      %add3A_143 = arith.constant 7 : i32
      %add3A_144 = arith.addi %add3A_142, %add3A_143 : i32
      "tpu.region"() ({
        %run_scoped3A = tpu.sem_alloc : memref<!tpu.dma_semaphore, #tpu.memory_space<semaphore_mem>>
        %dma_start3A_214 = arith.constant 350 : i32
        %dma_start3A_215 = arith.constant 0 : i32
        %dma_start3A_216 = tpu.memref_slice %arg6[%dma_start3A_214, %dma_start3A_215] : memref<400x128xf32, #tpu.memory_space<vmem>> -> memref<50x128xf32, #tpu.memory_space<vmem>>
        %dma_start3A_217 = arith.constant 0 : i32
        %dma_start3A_218 = arith.constant 0 : i32
        %dma_start3A_219 = tpu.memref_slice %arg4[%add3A_144, %dma_start3A_217, %dma_start3A_218] : memref<4096x50x128xf32, #tpu.memory_space<hbm>> -> memref<1x50x128xf32, #tpu.memory_space<hbm>>
        %dma_start3A_220 = tpu.memref_squeeze %dma_start3A_219 : memref<1x50x128xf32, #tpu.memory_space<hbm>> -> memref<50x128xf32, #tpu.memory_space<hbm>>
        %dma_start3A_221 = arith.constant 0 : i32
        %dma_start3A_222 = arith.constant 0 : i32
        %dma_start3A_223 = tpu.memref_slice %arg4[%add3A_144, %dma_start3A_221, %dma_start3A_222] : memref<4096x50x128xf32, #tpu.memory_space<hbm>> -> memref<1x50x128xf32, #tpu.memory_space<hbm>>
        %dma_start3A_224 = tpu.memref_squeeze %dma_start3A_223 : memref<1x50x128xf32, #tpu.memory_space<hbm>> -> memref<50x128xf32, #tpu.memory_space<hbm>>
        %dma_start3A_225 = arith.constant 350 : i32
        %dma_start3A_226 = arith.constant 0 : i32
        %dma_start3A_227 = tpu.memref_slice %arg6[%dma_start3A_225, %dma_start3A_226] : memref<400x128xf32, #tpu.memory_space<vmem>> -> memref<50x128xf32, #tpu.memory_space<vmem>>
        tpu.enqueue_dma source(%dma_start3A_227 : memref<50x128xf32, #tpu.memory_space<vmem>>) target(%dma_start3A_224 : memref<50x128xf32, #tpu.memory_space<hbm>>) target_semaphore(%run_scoped3A : memref<!tpu.dma_semaphore, #tpu.memory_space<semaphore_mem>>)
        %dma_wait3A_228 = arith.constant 350 : i32
        %dma_wait3A_229 = arith.constant 0 : i32
        %dma_wait3A_230 = tpu.memref_slice %arg6[%dma_wait3A_228, %dma_wait3A_229] : memref<400x128xf32, #tpu.memory_space<vmem>> -> memref<50x128xf32, #tpu.memory_space<vmem>>
        %dma_wait3A_231 = arith.constant 0 : i32
        %dma_wait3A_232 = arith.constant 0 : i32
        %dma_wait3A_233 = tpu.memref_slice %arg4[%add3A_144, %dma_wait3A_231, %dma_wait3A_232] : memref<4096x50x128xf32, #tpu.memory_space<hbm>> -> memref<1x50x128xf32, #tpu.memory_space<hbm>>
        %dma_wait3A_234 = tpu.memref_squeeze %dma_wait3A_233 : memref<1x50x128xf32, #tpu.memory_space<hbm>> -> memref<50x128xf32, #tpu.memory_space<hbm>>
        %dma_wait3A_235 = arith.constant 0 : i32
        %dma_wait3A_236 = arith.constant 0 : i32
        %dma_wait3A_237 = tpu.memref_slice %arg4[%add3A_144, %dma_wait3A_235, %dma_wait3A_236] : memref<4096x50x128xf32, #tpu.memory_space<hbm>> -> memref<1x50x128xf32, #tpu.memory_space<hbm>>
        %dma_wait3A_238 = tpu.memref_squeeze %dma_wait3A_237 : memref<1x50x128xf32, #tpu.memory_space<hbm>> -> memref<50x128xf32, #tpu.memory_space<hbm>>
        %dma_wait3A_239 = arith.constant 350 : i32
        %dma_wait3A_240 = arith.constant 0 : i32
        %dma_wait3A_241 = tpu.memref_slice %arg6[%dma_wait3A_239, %dma_wait3A_240] : memref<400x128xf32, #tpu.memory_space<vmem>> -> memref<50x128xf32, #tpu.memory_space<vmem>>
        tpu.wait_dma2 semaphore(%run_scoped3A : memref<!tpu.dma_semaphore, #tpu.memory_space<semaphore_mem>>) src(%dma_wait3A_241 : memref<50x128xf32, #tpu.memory_space<vmem>>) dst(%dma_wait3A_238 : memref<50x128xf32, #tpu.memory_space<hbm>>)
        tpu.yield
      }) : () -> ()
      %add3A_145 = arith.constant 0 : i32
      %add3A_146 = arith.addi %mul3A_96, %add3A_145 : i32
      %add3A_147 = arith.constant 2 : i32
      %add3A_148 = arith.addi %add3A_146, %add3A_147 : i32
      %mul3A_149 = arith.constant 400 : i32
      %mul3A_150 = arith.muli %add3A_148, %mul3A_149 : i32
      %dma_start3A_151 = tpu.memref_slice %arg5[%mul3A_150] : memref<6400xi32, #tpu.memory_space<vmem>> -> memref<400xi32, #tpu.memory_space<vmem>>
      %dma_start3A_152 = arith.constant 0 : i32
      %dma_start3A_153 = arith.constant 0 : i32
      %dma_start3A_154 = tpu.memref_slice %arg3[%dma_start3A_152, %dma_start3A_153] : memref<1000000x128xf32, #tpu.memory_space<hbm>> -> memref<1000000x128xf32, #tpu.memory_space<hbm>>
      tpu.enqueue_indirect_dma source(%dma_start3A_154 : memref<1000000x128xf32, #tpu.memory_space<hbm>>) target(%arg6 : memref<400x128xf32, #tpu.memory_space<vmem>>) offsets(%dma_start3A_151 : memref<400xi32, #tpu.memory_space<vmem>>) semaphore(%arg8 : memref<!tpu.dma_semaphore, #tpu.memory_space<semaphore_mem>>)
      %add3A_155 = arith.constant 1 : i32
      %add3A_156 = arith.addi %mul3A_96, %add3A_155 : i32
      %mul3A_157 = arith.constant 400 : i32
      %mul3A_158 = arith.muli %add3A_156, %mul3A_157 : i32
      %dma_wait3A_159 = tpu.memref_slice %arg5[%mul3A_158] : memref<6400xi32, #tpu.memory_space<vmem>> -> memref<400xi32, #tpu.memory_space<vmem>>
      %dma_wait3A_160 = arith.constant 0 : i32
      %dma_wait3A_161 = arith.constant 0 : i32
      %dma_wait3A_162 = tpu.memref_slice %arg3[%dma_wait3A_160, %dma_wait3A_161] : memref<1000000x128xf32, #tpu.memory_space<hbm>> -> memref<1000000x128xf32, #tpu.memory_space<hbm>>
      tpu.wait_indirect_dma semaphore(%arg9 : memref<!tpu.dma_semaphore, #tpu.memory_space<semaphore_mem>>) src(%dma_wait3A_162 : memref<1000000x128xf32, #tpu.memory_space<hbm>>) dst(%arg7 : memref<400x128xf32, #tpu.memory_space<vmem>>)
      %mul3A_163 = arith.constant 8 : i32
      %mul3A_164 = arith.muli %add3A_156, %mul3A_163 : i32
      %add3A_165 = arith.addi %mul3A_4, %mul3A_164 : i32
      %add3A_166 = arith.constant 0 : i32
      %add3A_167 = arith.addi %add3A_165, %add3A_166 : i32
      "tpu.region"() ({
        %run_scoped3A = tpu.sem_alloc : memref<!tpu.dma_semaphore, #tpu.memory_space<semaphore_mem>>
        %dma_start3A_214 = arith.constant 0 : i32
        %dma_start3A_215 = arith.constant 0 : i32
        %dma_start3A_216 = tpu.memref_slice %arg7[%dma_start3A_214, %dma_start3A_215] : memref<400x128xf32, #tpu.memory_space<vmem>> -> memref<50x128xf32, #tpu.memory_space<vmem>>
        %dma_start3A_217 = arith.constant 0 : i32
        %dma_start3A_218 = arith.constant 0 : i32
        %dma_start3A_219 = tpu.memref_slice %arg4[%add3A_167, %dma_start3A_217, %dma_start3A_218] : memref<4096x50x128xf32, #tpu.memory_space<hbm>> -> memref<1x50x128xf32, #tpu.memory_space<hbm>>
        %dma_start3A_220 = tpu.memref_squeeze %dma_start3A_219 : memref<1x50x128xf32, #tpu.memory_space<hbm>> -> memref<50x128xf32, #tpu.memory_space<hbm>>
        %dma_start3A_221 = arith.constant 0 : i32
        %dma_start3A_222 = arith.constant 0 : i32
        %dma_start3A_223 = tpu.memref_slice %arg4[%add3A_167, %dma_start3A_221, %dma_start3A_222] : memref<4096x50x128xf32, #tpu.memory_space<hbm>> -> memref<1x50x128xf32, #tpu.memory_space<hbm>>
        %dma_start3A_224 = tpu.memref_squeeze %dma_start3A_223 : memref<1x50x128xf32, #tpu.memory_space<hbm>> -> memref<50x128xf32, #tpu.memory_space<hbm>>
        %dma_start3A_225 = arith.constant 0 : i32
        %dma_start3A_226 = arith.constant 0 : i32
        %dma_start3A_227 = tpu.memref_slice %arg7[%dma_start3A_225, %dma_start3A_226] : memref<400x128xf32, #tpu.memory_space<vmem>> -> memref<50x128xf32, #tpu.memory_space<vmem>>
        tpu.enqueue_dma source(%dma_start3A_227 : memref<50x128xf32, #tpu.memory_space<vmem>>) target(%dma_start3A_224 : memref<50x128xf32, #tpu.memory_space<hbm>>) target_semaphore(%run_scoped3A : memref<!tpu.dma_semaphore, #tpu.memory_space<semaphore_mem>>)
        %dma_wait3A_228 = arith.constant 0 : i32
        %dma_wait3A_229 = arith.constant 0 : i32
        %dma_wait3A_230 = tpu.memref_slice %arg7[%dma_wait3A_228, %dma_wait3A_229] : memref<400x128xf32, #tpu.memory_space<vmem>> -> memref<50x128xf32, #tpu.memory_space<vmem>>
        %dma_wait3A_231 = arith.constant 0 : i32
        %dma_wait3A_232 = arith.constant 0 : i32
        %dma_wait3A_233 = tpu.memref_slice %arg4[%add3A_167, %dma_wait3A_231, %dma_wait3A_232] : memref<4096x50x128xf32, #tpu.memory_space<hbm>> -> memref<1x50x128xf32, #tpu.memory_space<hbm>>
        %dma_wait3A_234 = tpu.memref_squeeze %dma_wait3A_233 : memref<1x50x128xf32, #tpu.memory_space<hbm>> -> memref<50x128xf32, #tpu.memory_space<hbm>>
        %dma_wait3A_235 = arith.constant 0 : i32
        %dma_wait3A_236 = arith.constant 0 : i32
        %dma_wait3A_237 = tpu.memref_slice %arg4[%add3A_167, %dma_wait3A_235, %dma_wait3A_236] : memref<4096x50x128xf32, #tpu.memory_space<hbm>> -> memref<1x50x128xf32, #tpu.memory_space<hbm>>
        %dma_wait3A_238 = tpu.memref_squeeze %dma_wait3A_237 : memref<1x50x128xf32, #tpu.memory_space<hbm>> -> memref<50x128xf32, #tpu.memory_space<hbm>>
        %dma_wait3A_239 = arith.constant 0 : i32
        %dma_wait3A_240 = arith.constant 0 : i32
        %dma_wait3A_241 = tpu.memref_slice %arg7[%dma_wait3A_239, %dma_wait3A_240] : memref<400x128xf32, #tpu.memory_space<vmem>> -> memref<50x128xf32, #tpu.memory_space<vmem>>
        tpu.wait_dma2 semaphore(%run_scoped3A : memref<!tpu.dma_semaphore, #tpu.memory_space<semaphore_mem>>) src(%dma_wait3A_241 : memref<50x128xf32, #tpu.memory_space<vmem>>) dst(%dma_wait3A_238 : memref<50x128xf32, #tpu.memory_space<hbm>>)
        tpu.yield
      }) : () -> ()
      %mul3A_168 = arith.constant 8 : i32
      %mul3A_169 = arith.muli %add3A_156, %mul3A_168 : i32
      %add3A_170 = arith.addi %mul3A_4, %mul3A_169 : i32
      %add3A_171 = arith.constant 1 : i32
      %add3A_172 = arith.addi %add3A_170, %add3A_171 : i32
      "tpu.region"() ({
        %run_scoped3A = tpu.sem_alloc : memref<!tpu.dma_semaphore, #tpu.memory_space<semaphore_mem>>
        %dma_start3A_214 = arith.constant 50 : i32
        %dma_start3A_215 = arith.constant 0 : i32
        %dma_start3A_216 = tpu.memref_slice %arg7[%dma_start3A_214, %dma_start3A_215] : memref<400x128xf32, #tpu.memory_space<vmem>> -> memref<50x128xf32, #tpu.memory_space<vmem>>
        %dma_start3A_217 = arith.constant 0 : i32
        %dma_start3A_218 = arith.constant 0 : i32
        %dma_start3A_219 = tpu.memref_slice %arg4[%add3A_172, %dma_start3A_217, %dma_start3A_218] : memref<4096x50x128xf32, #tpu.memory_space<hbm>> -> memref<1x50x128xf32, #tpu.memory_space<hbm>>
        %dma_start3A_220 = tpu.memref_squeeze %dma_start3A_219 : memref<1x50x128xf32, #tpu.memory_space<hbm>> -> memref<50x128xf32, #tpu.memory_space<hbm>>
        %dma_start3A_221 = arith.constant 0 : i32
        %dma_start3A_222 = arith.constant 0 : i32
        %dma_start3A_223 = tpu.memref_slice %arg4[%add3A_172, %dma_start3A_221, %dma_start3A_222] : memref<4096x50x128xf32, #tpu.memory_space<hbm>> -> memref<1x50x128xf32, #tpu.memory_space<hbm>>
        %dma_start3A_224 = tpu.memref_squeeze %dma_start3A_223 : memref<1x50x128xf32, #tpu.memory_space<hbm>> -> memref<50x128xf32, #tpu.memory_space<hbm>>
        %dma_start3A_225 = arith.constant 50 : i32
        %dma_start3A_226 = arith.constant 0 : i32
        %dma_start3A_227 = tpu.memref_slice %arg7[%dma_start3A_225, %dma_start3A_226] : memref<400x128xf32, #tpu.memory_space<vmem>> -> memref<50x128xf32, #tpu.memory_space<vmem>>
        tpu.enqueue_dma source(%dma_start3A_227 : memref<50x128xf32, #tpu.memory_space<vmem>>) target(%dma_start3A_224 : memref<50x128xf32, #tpu.memory_space<hbm>>) target_semaphore(%run_scoped3A : memref<!tpu.dma_semaphore, #tpu.memory_space<semaphore_mem>>)
        %dma_wait3A_228 = arith.constant 50 : i32
        %dma_wait3A_229 = arith.constant 0 : i32
        %dma_wait3A_230 = tpu.memref_slice %arg7[%dma_wait3A_228, %dma_wait3A_229] : memref<400x128xf32, #tpu.memory_space<vmem>> -> memref<50x128xf32, #tpu.memory_space<vmem>>
        %dma_wait3A_231 = arith.constant 0 : i32
        %dma_wait3A_232 = arith.constant 0 : i32
        %dma_wait3A_233 = tpu.memref_slice %arg4[%add3A_172, %dma_wait3A_231, %dma_wait3A_232] : memref<4096x50x128xf32, #tpu.memory_space<hbm>> -> memref<1x50x128xf32, #tpu.memory_space<hbm>>
        %dma_wait3A_234 = tpu.memref_squeeze %dma_wait3A_233 : memref<1x50x128xf32, #tpu.memory_space<hbm>> -> memref<50x128xf32, #tpu.memory_space<hbm>>
        %dma_wait3A_235 = arith.constant 0 : i32
        %dma_wait3A_236 = arith.constant 0 : i32
        %dma_wait3A_237 = tpu.memref_slice %arg4[%add3A_172, %dma_wait3A_235, %dma_wait3A_236] : memref<4096x50x128xf32, #tpu.memory_space<hbm>> -> memref<1x50x128xf32, #tpu.memory_space<hbm>>
        %dma_wait3A_238 = tpu.memref_squeeze %dma_wait3A_237 : memref<1x50x128xf32, #tpu.memory_space<hbm>> -> memref<50x128xf32, #tpu.memory_space<hbm>>
        %dma_wait3A_239 = arith.constant 50 : i32
        %dma_wait3A_240 = arith.constant 0 : i32
        %dma_wait3A_241 = tpu.memref_slice %arg7[%dma_wait3A_239, %dma_wait3A_240] : memref<400x128xf32, #tpu.memory_space<vmem>> -> memref<50x128xf32, #tpu.memory_space<vmem>>
        tpu.wait_dma2 semaphore(%run_scoped3A : memref<!tpu.dma_semaphore, #tpu.memory_space<semaphore_mem>>) src(%dma_wait3A_241 : memref<50x128xf32, #tpu.memory_space<vmem>>) dst(%dma_wait3A_238 : memref<50x128xf32, #tpu.memory_space<hbm>>)
        tpu.yield
      }) : () -> ()
      %mul3A_173 = arith.constant 8 : i32
      %mul3A_174 = arith.muli %add3A_156, %mul3A_173 : i32
      %add3A_175 = arith.addi %mul3A_4, %mul3A_174 : i32
      %add3A_176 = arith.constant 2 : i32
      %add3A_177 = arith.addi %add3A_175, %add3A_176 : i32
      "tpu.region"() ({
        %run_scoped3A = tpu.sem_alloc : memref<!tpu.dma_semaphore, #tpu.memory_space<semaphore_mem>>
        %dma_start3A_214 = arith.constant 100 : i32
        %dma_start3A_215 = arith.constant 0 : i32
        %dma_start3A_216 = tpu.memref_slice %arg7[%dma_start3A_214, %dma_start3A_215] : memref<400x128xf32, #tpu.memory_space<vmem>> -> memref<50x128xf32, #tpu.memory_space<vmem>>
        %dma_start3A_217 = arith.constant 0 : i32
        %dma_start3A_218 = arith.constant 0 : i32
        %dma_start3A_219 = tpu.memref_slice %arg4[%add3A_177, %dma_start3A_217, %dma_start3A_218] : memref<4096x50x128xf32, #tpu.memory_space<hbm>> -> memref<1x50x128xf32, #tpu.memory_space<hbm>>
        %dma_start3A_220 = tpu.memref_squeeze %dma_start3A_219 : memref<1x50x128xf32, #tpu.memory_space<hbm>> -> memref<50x128xf32, #tpu.memory_space<hbm>>
        %dma_start3A_221 = arith.constant 0 : i32
        %dma_start3A_222 = arith.constant 0 : i32
        %dma_start3A_223 = tpu.memref_slice %arg4[%add3A_177, %dma_start3A_221, %dma_start3A_222] : memref<4096x50x128xf32, #tpu.memory_space<hbm>> -> memref<1x50x128xf32, #tpu.memory_space<hbm>>
        %dma_start3A_224 = tpu.memref_squeeze %dma_start3A_223 : memref<1x50x128xf32, #tpu.memory_space<hbm>> -> memref<50x128xf32, #tpu.memory_space<hbm>>
        %dma_start3A_225 = arith.constant 100 : i32
        %dma_start3A_226 = arith.constant 0 : i32
        %dma_start3A_227 = tpu.memref_slice %arg7[%dma_start3A_225, %dma_start3A_226] : memref<400x128xf32, #tpu.memory_space<vmem>> -> memref<50x128xf32, #tpu.memory_space<vmem>>
        tpu.enqueue_dma source(%dma_start3A_227 : memref<50x128xf32, #tpu.memory_space<vmem>>) target(%dma_start3A_224 : memref<50x128xf32, #tpu.memory_space<hbm>>) target_semaphore(%run_scoped3A : memref<!tpu.dma_semaphore, #tpu.memory_space<semaphore_mem>>)
        %dma_wait3A_228 = arith.constant 100 : i32
        %dma_wait3A_229 = arith.constant 0 : i32
        %dma_wait3A_230 = tpu.memref_slice %arg7[%dma_wait3A_228, %dma_wait3A_229] : memref<400x128xf32, #tpu.memory_space<vmem>> -> memref<50x128xf32, #tpu.memory_space<vmem>>
        %dma_wait3A_231 = arith.constant 0 : i32
        %dma_wait3A_232 = arith.constant 0 : i32
        %dma_wait3A_233 = tpu.memref_slice %arg4[%add3A_177, %dma_wait3A_231, %dma_wait3A_232] : memref<4096x50x128xf32, #tpu.memory_space<hbm>> -> memref<1x50x128xf32, #tpu.memory_space<hbm>>
        %dma_wait3A_234 = tpu.memref_squeeze %dma_wait3A_233 : memref<1x50x128xf32, #tpu.memory_space<hbm>> -> memref<50x128xf32, #tpu.memory_space<hbm>>
        %dma_wait3A_235 = arith.constant 0 : i32
        %dma_wait3A_236 = arith.constant 0 : i32
        %dma_wait3A_237 = tpu.memref_slice %arg4[%add3A_177, %dma_wait3A_235, %dma_wait3A_236] : memref<4096x50x128xf32, #tpu.memory_space<hbm>> -> memref<1x50x128xf32, #tpu.memory_space<hbm>>
        %dma_wait3A_238 = tpu.memref_squeeze %dma_wait3A_237 : memref<1x50x128xf32, #tpu.memory_space<hbm>> -> memref<50x128xf32, #tpu.memory_space<hbm>>
        %dma_wait3A_239 = arith.constant 100 : i32
        %dma_wait3A_240 = arith.constant 0 : i32
        %dma_wait3A_241 = tpu.memref_slice %arg7[%dma_wait3A_239, %dma_wait3A_240] : memref<400x128xf32, #tpu.memory_space<vmem>> -> memref<50x128xf32, #tpu.memory_space<vmem>>
        tpu.wait_dma2 semaphore(%run_scoped3A : memref<!tpu.dma_semaphore, #tpu.memory_space<semaphore_mem>>) src(%dma_wait3A_241 : memref<50x128xf32, #tpu.memory_space<vmem>>) dst(%dma_wait3A_238 : memref<50x128xf32, #tpu.memory_space<hbm>>)
        tpu.yield
      }) : () -> ()
      %mul3A_178 = arith.constant 8 : i32
      %mul3A_179 = arith.muli %add3A_156, %mul3A_178 : i32
      %add3A_180 = arith.addi %mul3A_4, %mul3A_179 : i32
      %add3A_181 = arith.constant 3 : i32
      %add3A_182 = arith.addi %add3A_180, %add3A_181 : i32
      "tpu.region"() ({
        %run_scoped3A = tpu.sem_alloc : memref<!tpu.dma_semaphore, #tpu.memory_space<semaphore_mem>>
        %dma_start3A_214 = arith.constant 150 : i32
        %dma_start3A_215 = arith.constant 0 : i32
        %dma_start3A_216 = tpu.memref_slice %arg7[%dma_start3A_214, %dma_start3A_215] : memref<400x128xf32, #tpu.memory_space<vmem>> -> memref<50x128xf32, #tpu.memory_space<vmem>>
        %dma_start3A_217 = arith.constant 0 : i32
        %dma_start3A_218 = arith.constant 0 : i32
        %dma_start3A_219 = tpu.memref_slice %arg4[%add3A_182, %dma_start3A_217, %dma_start3A_218] : memref<4096x50x128xf32, #tpu.memory_space<hbm>> -> memref<1x50x128xf32, #tpu.memory_space<hbm>>
        %dma_start3A_220 = tpu.memref_squeeze %dma_start3A_219 : memref<1x50x128xf32, #tpu.memory_space<hbm>> -> memref<50x128xf32, #tpu.memory_space<hbm>>
        %dma_start3A_221 = arith.constant 0 : i32
        %dma_start3A_222 = arith.constant 0 : i32
        %dma_start3A_223 = tpu.memref_slice %arg4[%add3A_182, %dma_start3A_221, %dma_start3A_222] : memref<4096x50x128xf32, #tpu.memory_space<hbm>> -> memref<1x50x128xf32, #tpu.memory_space<hbm>>
        %dma_start3A_224 = tpu.memref_squeeze %dma_start3A_223 : memref<1x50x128xf32, #tpu.memory_space<hbm>> -> memref<50x128xf32, #tpu.memory_space<hbm>>
        %dma_start3A_225 = arith.constant 150 : i32
        %dma_start3A_226 = arith.constant 0 : i32
        %dma_start3A_227 = tpu.memref_slice %arg7[%dma_start3A_225, %dma_start3A_226] : memref<400x128xf32, #tpu.memory_space<vmem>> -> memref<50x128xf32, #tpu.memory_space<vmem>>
        tpu.enqueue_dma source(%dma_start3A_227 : memref<50x128xf32, #tpu.memory_space<vmem>>) target(%dma_start3A_224 : memref<50x128xf32, #tpu.memory_space<hbm>>) target_semaphore(%run_scoped3A : memref<!tpu.dma_semaphore, #tpu.memory_space<semaphore_mem>>)
        %dma_wait3A_228 = arith.constant 150 : i32
        %dma_wait3A_229 = arith.constant 0 : i32
        %dma_wait3A_230 = tpu.memref_slice %arg7[%dma_wait3A_228, %dma_wait3A_229] : memref<400x128xf32, #tpu.memory_space<vmem>> -> memref<50x128xf32, #tpu.memory_space<vmem>>
        %dma_wait3A_231 = arith.constant 0 : i32
        %dma_wait3A_232 = arith.constant 0 : i32
        %dma_wait3A_233 = tpu.memref_slice %arg4[%add3A_182, %dma_wait3A_231, %dma_wait3A_232] : memref<4096x50x128xf32, #tpu.memory_space<hbm>> -> memref<1x50x128xf32, #tpu.memory_space<hbm>>
        %dma_wait3A_234 = tpu.memref_squeeze %dma_wait3A_233 : memref<1x50x128xf32, #tpu.memory_space<hbm>> -> memref<50x128xf32, #tpu.memory_space<hbm>>
        %dma_wait3A_235 = arith.constant 0 : i32
        %dma_wait3A_236 = arith.constant 0 : i32
        %dma_wait3A_237 = tpu.memref_slice %arg4[%add3A_182, %dma_wait3A_235, %dma_wait3A_236] : memref<4096x50x128xf32, #tpu.memory_space<hbm>> -> memref<1x50x128xf32, #tpu.memory_space<hbm>>
        %dma_wait3A_238 = tpu.memref_squeeze %dma_wait3A_237 : memref<1x50x128xf32, #tpu.memory_space<hbm>> -> memref<50x128xf32, #tpu.memory_space<hbm>>
        %dma_wait3A_239 = arith.constant 150 : i32
        %dma_wait3A_240 = arith.constant 0 : i32
        %dma_wait3A_241 = tpu.memref_slice %arg7[%dma_wait3A_239, %dma_wait3A_240] : memref<400x128xf32, #tpu.memory_space<vmem>> -> memref<50x128xf32, #tpu.memory_space<vmem>>
        tpu.wait_dma2 semaphore(%run_scoped3A : memref<!tpu.dma_semaphore, #tpu.memory_space<semaphore_mem>>) src(%dma_wait3A_241 : memref<50x128xf32, #tpu.memory_space<vmem>>) dst(%dma_wait3A_238 : memref<50x128xf32, #tpu.memory_space<hbm>>)
        tpu.yield
      }) : () -> ()
      %mul3A_183 = arith.constant 8 : i32
      %mul3A_184 = arith.muli %add3A_156, %mul3A_183 : i32
      %add3A_185 = arith.addi %mul3A_4, %mul3A_184 : i32
      %add3A_186 = arith.constant 4 : i32
      %add3A_187 = arith.addi %add3A_185, %add3A_186 : i32
      "tpu.region"() ({
        %run_scoped3A = tpu.sem_alloc : memref<!tpu.dma_semaphore, #tpu.memory_space<semaphore_mem>>
        %dma_start3A_214 = arith.constant 200 : i32
        %dma_start3A_215 = arith.constant 0 : i32
        %dma_start3A_216 = tpu.memref_slice %arg7[%dma_start3A_214, %dma_start3A_215] : memref<400x128xf32, #tpu.memory_space<vmem>> -> memref<50x128xf32, #tpu.memory_space<vmem>>
        %dma_start3A_217 = arith.constant 0 : i32
        %dma_start3A_218 = arith.constant 0 : i32
        %dma_start3A_219 = tpu.memref_slice %arg4[%add3A_187, %dma_start3A_217, %dma_start3A_218] : memref<4096x50x128xf32, #tpu.memory_space<hbm>> -> memref<1x50x128xf32, #tpu.memory_space<hbm>>
        %dma_start3A_220 = tpu.memref_squeeze %dma_start3A_219 : memref<1x50x128xf32, #tpu.memory_space<hbm>> -> memref<50x128xf32, #tpu.memory_space<hbm>>
        %dma_start3A_221 = arith.constant 0 : i32
        %dma_start3A_222 = arith.constant 0 : i32
        %dma_start3A_223 = tpu.memref_slice %arg4[%add3A_187, %dma_start3A_221, %dma_start3A_222] : memref<4096x50x128xf32, #tpu.memory_space<hbm>> -> memref<1x50x128xf32, #tpu.memory_space<hbm>>
        %dma_start3A_224 = tpu.memref_squeeze %dma_start3A_223 : memref<1x50x128xf32, #tpu.memory_space<hbm>> -> memref<50x128xf32, #tpu.memory_space<hbm>>
        %dma_start3A_225 = arith.constant 200 : i32
        %dma_start3A_226 = arith.constant 0 : i32
        %dma_start3A_227 = tpu.memref_slice %arg7[%dma_start3A_225, %dma_start3A_226] : memref<400x128xf32, #tpu.memory_space<vmem>> -> memref<50x128xf32, #tpu.memory_space<vmem>>
        tpu.enqueue_dma source(%dma_start3A_227 : memref<50x128xf32, #tpu.memory_space<vmem>>) target(%dma_start3A_224 : memref<50x128xf32, #tpu.memory_space<hbm>>) target_semaphore(%run_scoped3A : memref<!tpu.dma_semaphore, #tpu.memory_space<semaphore_mem>>)
        %dma_wait3A_228 = arith.constant 200 : i32
        %dma_wait3A_229 = arith.constant 0 : i32
        %dma_wait3A_230 = tpu.memref_slice %arg7[%dma_wait3A_228, %dma_wait3A_229] : memref<400x128xf32, #tpu.memory_space<vmem>> -> memref<50x128xf32, #tpu.memory_space<vmem>>
        %dma_wait3A_231 = arith.constant 0 : i32
        %dma_wait3A_232 = arith.constant 0 : i32
        %dma_wait3A_233 = tpu.memref_slice %arg4[%add3A_187, %dma_wait3A_231, %dma_wait3A_232] : memref<4096x50x128xf32, #tpu.memory_space<hbm>> -> memref<1x50x128xf32, #tpu.memory_space<hbm>>
        %dma_wait3A_234 = tpu.memref_squeeze %dma_wait3A_233 : memref<1x50x128xf32, #tpu.memory_space<hbm>> -> memref<50x128xf32, #tpu.memory_space<hbm>>
        %dma_wait3A_235 = arith.constant 0 : i32
        %dma_wait3A_236 = arith.constant 0 : i32
        %dma_wait3A_237 = tpu.memref_slice %arg4[%add3A_187, %dma_wait3A_235, %dma_wait3A_236] : memref<4096x50x128xf32, #tpu.memory_space<hbm>> -> memref<1x50x128xf32, #tpu.memory_space<hbm>>
        %dma_wait3A_238 = tpu.memref_squeeze %dma_wait3A_237 : memref<1x50x128xf32, #tpu.memory_space<hbm>> -> memref<50x128xf32, #tpu.memory_space<hbm>>
        %dma_wait3A_239 = arith.constant 200 : i32
        %dma_wait3A_240 = arith.constant 0 : i32
        %dma_wait3A_241 = tpu.memref_slice %arg7[%dma_wait3A_239, %dma_wait3A_240] : memref<400x128xf32, #tpu.memory_space<vmem>> -> memref<50x128xf32, #tpu.memory_space<vmem>>
        tpu.wait_dma2 semaphore(%run_scoped3A : memref<!tpu.dma_semaphore, #tpu.memory_space<semaphore_mem>>) src(%dma_wait3A_241 : memref<50x128xf32, #tpu.memory_space<vmem>>) dst(%dma_wait3A_238 : memref<50x128xf32, #tpu.memory_space<hbm>>)
        tpu.yield
      }) : () -> ()
      %mul3A_188 = arith.constant 8 : i32
      %mul3A_189 = arith.muli %add3A_156, %mul3A_188 : i32
      %add3A_190 = arith.addi %mul3A_4, %mul3A_189 : i32
      %add3A_191 = arith.constant 5 : i32
      %add3A_192 = arith.addi %add3A_190, %add3A_191 : i32
      "tpu.region"() ({
        %run_scoped3A = tpu.sem_alloc : memref<!tpu.dma_semaphore, #tpu.memory_space<semaphore_mem>>
        %dma_start3A_214 = arith.constant 250 : i32
        %dma_start3A_215 = arith.constant 0 : i32
        %dma_start3A_216 = tpu.memref_slice %arg7[%dma_start3A_214, %dma_start3A_215] : memref<400x128xf32, #tpu.memory_space<vmem>> -> memref<50x128xf32, #tpu.memory_space<vmem>>
        %dma_start3A_217 = arith.constant 0 : i32
        %dma_start3A_218 = arith.constant 0 : i32
        %dma_start3A_219 = tpu.memref_slice %arg4[%add3A_192, %dma_start3A_217, %dma_start3A_218] : memref<4096x50x128xf32, #tpu.memory_space<hbm>> -> memref<1x50x128xf32, #tpu.memory_space<hbm>>
        %dma_start3A_220 = tpu.memref_squeeze %dma_start3A_219 : memref<1x50x128xf32, #tpu.memory_space<hbm>> -> memref<50x128xf32, #tpu.memory_space<hbm>>
        %dma_start3A_221 = arith.constant 0 : i32
        %dma_start3A_222 = arith.constant 0 : i32
        %dma_start3A_223 = tpu.memref_slice %arg4[%add3A_192, %dma_start3A_221, %dma_start3A_222] : memref<4096x50x128xf32, #tpu.memory_space<hbm>> -> memref<1x50x128xf32, #tpu.memory_space<hbm>>
        %dma_start3A_224 = tpu.memref_squeeze %dma_start3A_223 : memref<1x50x128xf32, #tpu.memory_space<hbm>> -> memref<50x128xf32, #tpu.memory_space<hbm>>
        %dma_start3A_225 = arith.constant 250 : i32
        %dma_start3A_226 = arith.constant 0 : i32
        %dma_start3A_227 = tpu.memref_slice %arg7[%dma_start3A_225, %dma_start3A_226] : memref<400x128xf32, #tpu.memory_space<vmem>> -> memref<50x128xf32, #tpu.memory_space<vmem>>
        tpu.enqueue_dma source(%dma_start3A_227 : memref<50x128xf32, #tpu.memory_space<vmem>>) target(%dma_start3A_224 : memref<50x128xf32, #tpu.memory_space<hbm>>) target_semaphore(%run_scoped3A : memref<!tpu.dma_semaphore, #tpu.memory_space<semaphore_mem>>)
        %dma_wait3A_228 = arith.constant 250 : i32
        %dma_wait3A_229 = arith.constant 0 : i32
        %dma_wait3A_230 = tpu.memref_slice %arg7[%dma_wait3A_228, %dma_wait3A_229] : memref<400x128xf32, #tpu.memory_space<vmem>> -> memref<50x128xf32, #tpu.memory_space<vmem>>
        %dma_wait3A_231 = arith.constant 0 : i32
        %dma_wait3A_232 = arith.constant 0 : i32
        %dma_wait3A_233 = tpu.memref_slice %arg4[%add3A_192, %dma_wait3A_231, %dma_wait3A_232] : memref<4096x50x128xf32, #tpu.memory_space<hbm>> -> memref<1x50x128xf32, #tpu.memory_space<hbm>>
        %dma_wait3A_234 = tpu.memref_squeeze %dma_wait3A_233 : memref<1x50x128xf32, #tpu.memory_space<hbm>> -> memref<50x128xf32, #tpu.memory_space<hbm>>
        %dma_wait3A_235 = arith.constant 0 : i32
        %dma_wait3A_236 = arith.constant 0 : i32
        %dma_wait3A_237 = tpu.memref_slice %arg4[%add3A_192, %dma_wait3A_235, %dma_wait3A_236] : memref<4096x50x128xf32, #tpu.memory_space<hbm>> -> memref<1x50x128xf32, #tpu.memory_space<hbm>>
        %dma_wait3A_238 = tpu.memref_squeeze %dma_wait3A_237 : memref<1x50x128xf32, #tpu.memory_space<hbm>> -> memref<50x128xf32, #tpu.memory_space<hbm>>
        %dma_wait3A_239 = arith.constant 250 : i32
        %dma_wait3A_240 = arith.constant 0 : i32
        %dma_wait3A_241 = tpu.memref_slice %arg7[%dma_wait3A_239, %dma_wait3A_240] : memref<400x128xf32, #tpu.memory_space<vmem>> -> memref<50x128xf32, #tpu.memory_space<vmem>>
        tpu.wait_dma2 semaphore(%run_scoped3A : memref<!tpu.dma_semaphore, #tpu.memory_space<semaphore_mem>>) src(%dma_wait3A_241 : memref<50x128xf32, #tpu.memory_space<vmem>>) dst(%dma_wait3A_238 : memref<50x128xf32, #tpu.memory_space<hbm>>)
        tpu.yield
      }) : () -> ()
      %mul3A_193 = arith.constant 8 : i32
      %mul3A_194 = arith.muli %add3A_156, %mul3A_193 : i32
      %add3A_195 = arith.addi %mul3A_4, %mul3A_194 : i32
      %add3A_196 = arith.constant 6 : i32
      %add3A_197 = arith.addi %add3A_195, %add3A_196 : i32
      "tpu.region"() ({
        %run_scoped3A = tpu.sem_alloc : memref<!tpu.dma_semaphore, #tpu.memory_space<semaphore_mem>>
        %dma_start3A_214 = arith.constant 300 : i32
        %dma_start3A_215 = arith.constant 0 : i32
        %dma_start3A_216 = tpu.memref_slice %arg7[%dma_start3A_214, %dma_start3A_215] : memref<400x128xf32, #tpu.memory_space<vmem>> -> memref<50x128xf32, #tpu.memory_space<vmem>>
        %dma_start3A_217 = arith.constant 0 : i32
        %dma_start3A_218 = arith.constant 0 : i32
        %dma_start3A_219 = tpu.memref_slice %arg4[%add3A_197, %dma_start3A_217, %dma_start3A_218] : memref<4096x50x128xf32, #tpu.memory_space<hbm>> -> memref<1x50x128xf32, #tpu.memory_space<hbm>>
        %dma_start3A_220 = tpu.memref_squeeze %dma_start3A_219 : memref<1x50x128xf32, #tpu.memory_space<hbm>> -> memref<50x128xf32, #tpu.memory_space<hbm>>
        %dma_start3A_221 = arith.constant 0 : i32
        %dma_start3A_222 = arith.constant 0 : i32
        %dma_start3A_223 = tpu.memref_slice %arg4[%add3A_197, %dma_start3A_221, %dma_start3A_222] : memref<4096x50x128xf32, #tpu.memory_space<hbm>> -> memref<1x50x128xf32, #tpu.memory_space<hbm>>
        %dma_start3A_224 = tpu.memref_squeeze %dma_start3A_223 : memref<1x50x128xf32, #tpu.memory_space<hbm>> -> memref<50x128xf32, #tpu.memory_space<hbm>>
        %dma_start3A_225 = arith.constant 300 : i32
        %dma_start3A_226 = arith.constant 0 : i32
        %dma_start3A_227 = tpu.memref_slice %arg7[%dma_start3A_225, %dma_start3A_226] : memref<400x128xf32, #tpu.memory_space<vmem>> -> memref<50x128xf32, #tpu.memory_space<vmem>>
        tpu.enqueue_dma source(%dma_start3A_227 : memref<50x128xf32, #tpu.memory_space<vmem>>) target(%dma_start3A_224 : memref<50x128xf32, #tpu.memory_space<hbm>>) target_semaphore(%run_scoped3A : memref<!tpu.dma_semaphore, #tpu.memory_space<semaphore_mem>>)
        %dma_wait3A_228 = arith.constant 300 : i32
        %dma_wait3A_229 = arith.constant 0 : i32
        %dma_wait3A_230 = tpu.memref_slice %arg7[%dma_wait3A_228, %dma_wait3A_229] : memref<400x128xf32, #tpu.memory_space<vmem>> -> memref<50x128xf32, #tpu.memory_space<vmem>>
        %dma_wait3A_231 = arith.constant 0 : i32
        %dma_wait3A_232 = arith.constant 0 : i32
        %dma_wait3A_233 = tpu.memref_slice %arg4[%add3A_197, %dma_wait3A_231, %dma_wait3A_232] : memref<4096x50x128xf32, #tpu.memory_space<hbm>> -> memref<1x50x128xf32, #tpu.memory_space<hbm>>
        %dma_wait3A_234 = tpu.memref_squeeze %dma_wait3A_233 : memref<1x50x128xf32, #tpu.memory_space<hbm>> -> memref<50x128xf32, #tpu.memory_space<hbm>>
        %dma_wait3A_235 = arith.constant 0 : i32
        %dma_wait3A_236 = arith.constant 0 : i32
        %dma_wait3A_237 = tpu.memref_slice %arg4[%add3A_197, %dma_wait3A_235, %dma_wait3A_236] : memref<4096x50x128xf32, #tpu.memory_space<hbm>> -> memref<1x50x128xf32, #tpu.memory_space<hbm>>
        %dma_wait3A_238 = tpu.memref_squeeze %dma_wait3A_237 : memref<1x50x128xf32, #tpu.memory_space<hbm>> -> memref<50x128xf32, #tpu.memory_space<hbm>>
        %dma_wait3A_239 = arith.constant 300 : i32
        %dma_wait3A_240 = arith.constant 0 : i32
        %dma_wait3A_241 = tpu.memref_slice %arg7[%dma_wait3A_239, %dma_wait3A_240] : memref<400x128xf32, #tpu.memory_space<vmem>> -> memref<50x128xf32, #tpu.memory_space<vmem>>
        tpu.wait_dma2 semaphore(%run_scoped3A : memref<!tpu.dma_semaphore, #tpu.memory_space<semaphore_mem>>) src(%dma_wait3A_241 : memref<50x128xf32, #tpu.memory_space<vmem>>) dst(%dma_wait3A_238 : memref<50x128xf32, #tpu.memory_space<hbm>>)
        tpu.yield
      }) : () -> ()
      %mul3A_198 = arith.constant 8 : i32
      %mul3A_199 = arith.muli %add3A_156, %mul3A_198 : i32
      %add3A_200 = arith.addi %mul3A_4, %mul3A_199 : i32
      %add3A_201 = arith.constant 7 : i32
      %add3A_202 = arith.addi %add3A_200, %add3A_201 : i32
      "tpu.region"() ({
        %run_scoped3A = tpu.sem_alloc : memref<!tpu.dma_semaphore, #tpu.memory_space<semaphore_mem>>
        %dma_start3A_214 = arith.constant 350 : i32
        %dma_start3A_215 = arith.constant 0 : i32
        %dma_start3A_216 = tpu.memref_slice %arg7[%dma_start3A_214, %dma_start3A_215] : memref<400x128xf32, #tpu.memory_space<vmem>> -> memref<50x128xf32, #tpu.memory_space<vmem>>
        %dma_start3A_217 = arith.constant 0 : i32
        %dma_start3A_218 = arith.constant 0 : i32
        %dma_start3A_219 = tpu.memref_slice %arg4[%add3A_202, %dma_start3A_217, %dma_start3A_218] : memref<4096x50x128xf32, #tpu.memory_space<hbm>> -> memref<1x50x128xf32, #tpu.memory_space<hbm>>
        %dma_start3A_220 = tpu.memref_squeeze %dma_start3A_219 : memref<1x50x128xf32, #tpu.memory_space<hbm>> -> memref<50x128xf32, #tpu.memory_space<hbm>>
        %dma_start3A_221 = arith.constant 0 : i32
        %dma_start3A_222 = arith.constant 0 : i32
        %dma_start3A_223 = tpu.memref_slice %arg4[%add3A_202, %dma_start3A_221, %dma_start3A_222] : memref<4096x50x128xf32, #tpu.memory_space<hbm>> -> memref<1x50x128xf32, #tpu.memory_space<hbm>>
        %dma_start3A_224 = tpu.memref_squeeze %dma_start3A_223 : memref<1x50x128xf32, #tpu.memory_space<hbm>> -> memref<50x128xf32, #tpu.memory_space<hbm>>
        %dma_start3A_225 = arith.constant 350 : i32
        %dma_start3A_226 = arith.constant 0 : i32
        %dma_start3A_227 = tpu.memref_slice %arg7[%dma_start3A_225, %dma_start3A_226] : memref<400x128xf32, #tpu.memory_space<vmem>> -> memref<50x128xf32, #tpu.memory_space<vmem>>
        tpu.enqueue_dma source(%dma_start3A_227 : memref<50x128xf32, #tpu.memory_space<vmem>>) target(%dma_start3A_224 : memref<50x128xf32, #tpu.memory_space<hbm>>) target_semaphore(%run_scoped3A : memref<!tpu.dma_semaphore, #tpu.memory_space<semaphore_mem>>)
        %dma_wait3A_228 = arith.constant 350 : i32
        %dma_wait3A_229 = arith.constant 0 : i32
        %dma_wait3A_230 = tpu.memref_slice %arg7[%dma_wait3A_228, %dma_wait3A_229] : memref<400x128xf32, #tpu.memory_space<vmem>> -> memref<50x128xf32, #tpu.memory_space<vmem>>
        %dma_wait3A_231 = arith.constant 0 : i32
        %dma_wait3A_232 = arith.constant 0 : i32
        %dma_wait3A_233 = tpu.memref_slice %arg4[%add3A_202, %dma_wait3A_231, %dma_wait3A_232] : memref<4096x50x128xf32, #tpu.memory_space<hbm>> -> memref<1x50x128xf32, #tpu.memory_space<hbm>>
        %dma_wait3A_234 = tpu.memref_squeeze %dma_wait3A_233 : memref<1x50x128xf32, #tpu.memory_space<hbm>> -> memref<50x128xf32, #tpu.memory_space<hbm>>
        %dma_wait3A_235 = arith.constant 0 : i32
        %dma_wait3A_236 = arith.constant 0 : i32
        %dma_wait3A_237 = tpu.memref_slice %arg4[%add3A_202, %dma_wait3A_235, %dma_wait3A_236] : memref<4096x50x128xf32, #tpu.memory_space<hbm>> -> memref<1x50x128xf32, #tpu.memory_space<hbm>>
        %dma_wait3A_238 = tpu.memref_squeeze %dma_wait3A_237 : memref<1x50x128xf32, #tpu.memory_space<hbm>> -> memref<50x128xf32, #tpu.memory_space<hbm>>
        %dma_wait3A_239 = arith.constant 350 : i32
        %dma_wait3A_240 = arith.constant 0 : i32
        %dma_wait3A_241 = tpu.memref_slice %arg7[%dma_wait3A_239, %dma_wait3A_240] : memref<400x128xf32, #tpu.memory_space<vmem>> -> memref<50x128xf32, #tpu.memory_space<vmem>>
        tpu.wait_dma2 semaphore(%run_scoped3A : memref<!tpu.dma_semaphore, #tpu.memory_space<semaphore_mem>>) src(%dma_wait3A_241 : memref<50x128xf32, #tpu.memory_space<vmem>>) dst(%dma_wait3A_238 : memref<50x128xf32, #tpu.memory_space<hbm>>)
        tpu.yield
      }) : () -> ()
      %add3A_203 = arith.constant 1 : i32
      %add3A_204 = arith.addi %mul3A_96, %add3A_203 : i32
      %add3A_205 = arith.constant 2 : i32
      %add3A_206 = arith.addi %add3A_204, %add3A_205 : i32
      %mul3A_207 = arith.constant 400 : i32
      %mul3A_208 = arith.muli %add3A_206, %mul3A_207 : i32
      %dma_start3A_209 = tpu.memref_slice %arg5[%mul3A_208] : memref<6400xi32, #tpu.memory_space<vmem>> -> memref<400xi32, #tpu.memory_space<vmem>>
      %dma_start3A_210 = arith.constant 0 : i32
      %dma_start3A_211 = arith.constant 0 : i32
      %dma_start3A_212 = tpu.memref_slice %arg3[%dma_start3A_210, %dma_start3A_211] : memref<1000000x128xf32, #tpu.memory_space<hbm>> -> memref<1000000x128xf32, #tpu.memory_space<hbm>>
      tpu.enqueue_indirect_dma source(%dma_start3A_212 : memref<1000000x128xf32, #tpu.memory_space<hbm>>) target(%arg7 : memref<400x128xf32, #tpu.memory_space<vmem>>) offsets(%dma_start3A_209 : memref<400xi32, #tpu.memory_space<vmem>>) semaphore(%arg9 : memref<!tpu.dma_semaphore, #tpu.memory_space<semaphore_mem>>)
      %scan3A_213 = arith.constant 0 : i32
      scf.yield %scan3A_213 : i32
    }
    %scan3A_19 = arith.constant 7 : i32
    %dma_wait3A = arith.constant 5600 : i32
    %dma_wait3A_20 = tpu.memref_slice %arg5[%dma_wait3A] : memref<6400xi32, #tpu.memory_space<vmem>> -> memref<400xi32, #tpu.memory_space<vmem>>
    %dma_wait3A_21 = arith.constant 0 : i32
    %dma_wait3A_22 = arith.constant 0 : i32
    %dma_wait3A_23 = tpu.memref_slice %arg3[%dma_wait3A_21, %dma_wait3A_22] : memref<1000000x128xf32, #tpu.memory_space<hbm>> -> memref<1000000x128xf32, #tpu.memory_space<hbm>>
    tpu.wait_indirect_dma semaphore(%arg8 : memref<!tpu.dma_semaphore, #tpu.memory_space<semaphore_mem>>) src(%dma_wait3A_23 : memref<1000000x128xf32, #tpu.memory_space<hbm>>) dst(%arg6 : memref<400x128xf32, #tpu.memory_space<vmem>>)
    %add3A_24 = arith.constant 112 : i32
    %add3A_25 = arith.addi %mul3A_4, %add3A_24 : i32
    %add3A_26 = arith.constant 0 : i32
    %add3A_27 = arith.addi %add3A_25, %add3A_26 : i32
    "tpu.region"() ({
      %run_scoped3A = tpu.sem_alloc : memref<!tpu.dma_semaphore, #tpu.memory_space<semaphore_mem>>
      %dma_start3A_93 = arith.constant 0 : i32
      %dma_start3A_94 = arith.constant 0 : i32
      %dma_start3A_95 = tpu.memref_slice %arg6[%dma_start3A_93, %dma_start3A_94] : memref<400x128xf32, #tpu.memory_space<vmem>> -> memref<50x128xf32, #tpu.memory_space<vmem>>
      %dma_start3A_96 = arith.constant 0 : i32
      %dma_start3A_97 = arith.constant 0 : i32
      %dma_start3A_98 = tpu.memref_slice %arg4[%add3A_27, %dma_start3A_96, %dma_start3A_97] : memref<4096x50x128xf32, #tpu.memory_space<hbm>> -> memref<1x50x128xf32, #tpu.memory_space<hbm>>
      %dma_start3A_99 = tpu.memref_squeeze %dma_start3A_98 : memref<1x50x128xf32, #tpu.memory_space<hbm>> -> memref<50x128xf32, #tpu.memory_space<hbm>>
      %dma_start3A_100 = arith.constant 0 : i32
      %dma_start3A_101 = arith.constant 0 : i32
      %dma_start3A_102 = tpu.memref_slice %arg4[%add3A_27, %dma_start3A_100, %dma_start3A_101] : memref<4096x50x128xf32, #tpu.memory_space<hbm>> -> memref<1x50x128xf32, #tpu.memory_space<hbm>>
      %dma_start3A_103 = tpu.memref_squeeze %dma_start3A_102 : memref<1x50x128xf32, #tpu.memory_space<hbm>> -> memref<50x128xf32, #tpu.memory_space<hbm>>
      %dma_start3A_104 = arith.constant 0 : i32
      %dma_start3A_105 = arith.constant 0 : i32
      %dma_start3A_106 = tpu.memref_slice %arg6[%dma_start3A_104, %dma_start3A_105] : memref<400x128xf32, #tpu.memory_space<vmem>> -> memref<50x128xf32, #tpu.memory_space<vmem>>
      tpu.enqueue_dma source(%dma_start3A_106 : memref<50x128xf32, #tpu.memory_space<vmem>>) target(%dma_start3A_103 : memref<50x128xf32, #tpu.memory_space<hbm>>) target_semaphore(%run_scoped3A : memref<!tpu.dma_semaphore, #tpu.memory_space<semaphore_mem>>)
      %dma_wait3A_107 = arith.constant 0 : i32
      %dma_wait3A_108 = arith.constant 0 : i32
      %dma_wait3A_109 = tpu.memref_slice %arg6[%dma_wait3A_107, %dma_wait3A_108] : memref<400x128xf32, #tpu.memory_space<vmem>> -> memref<50x128xf32, #tpu.memory_space<vmem>>
      %dma_wait3A_110 = arith.constant 0 : i32
      %dma_wait3A_111 = arith.constant 0 : i32
      %dma_wait3A_112 = tpu.memref_slice %arg4[%add3A_27, %dma_wait3A_110, %dma_wait3A_111] : memref<4096x50x128xf32, #tpu.memory_space<hbm>> -> memref<1x50x128xf32, #tpu.memory_space<hbm>>
      %dma_wait3A_113 = tpu.memref_squeeze %dma_wait3A_112 : memref<1x50x128xf32, #tpu.memory_space<hbm>> -> memref<50x128xf32, #tpu.memory_space<hbm>>
      %dma_wait3A_114 = arith.constant 0 : i32
      %dma_wait3A_115 = arith.constant 0 : i32
      %dma_wait3A_116 = tpu.memref_slice %arg4[%add3A_27, %dma_wait3A_114, %dma_wait3A_115] : memref<4096x50x128xf32, #tpu.memory_space<hbm>> -> memref<1x50x128xf32, #tpu.memory_space<hbm>>
      %dma_wait3A_117 = tpu.memref_squeeze %dma_wait3A_116 : memref<1x50x128xf32, #tpu.memory_space<hbm>> -> memref<50x128xf32, #tpu.memory_space<hbm>>
      %dma_wait3A_118 = arith.constant 0 : i32
      %dma_wait3A_119 = arith.constant 0 : i32
      %dma_wait3A_120 = tpu.memref_slice %arg6[%dma_wait3A_118, %dma_wait3A_119] : memref<400x128xf32, #tpu.memory_space<vmem>> -> memref<50x128xf32, #tpu.memory_space<vmem>>
      tpu.wait_dma2 semaphore(%run_scoped3A : memref<!tpu.dma_semaphore, #tpu.memory_space<semaphore_mem>>) src(%dma_wait3A_120 : memref<50x128xf32, #tpu.memory_space<vmem>>) dst(%dma_wait3A_117 : memref<50x128xf32, #tpu.memory_space<hbm>>)
      tpu.yield
    }) : () -> ()
    %add3A_28 = arith.constant 112 : i32
    %add3A_29 = arith.addi %mul3A_4, %add3A_28 : i32
    %add3A_30 = arith.constant 1 : i32
    %add3A_31 = arith.addi %add3A_29, %add3A_30 : i32
    "tpu.region"() ({
      %run_scoped3A = tpu.sem_alloc : memref<!tpu.dma_semaphore, #tpu.memory_space<semaphore_mem>>
      %dma_start3A_93 = arith.constant 50 : i32
      %dma_start3A_94 = arith.constant 0 : i32
      %dma_start3A_95 = tpu.memref_slice %arg6[%dma_start3A_93, %dma_start3A_94] : memref<400x128xf32, #tpu.memory_space<vmem>> -> memref<50x128xf32, #tpu.memory_space<vmem>>
      %dma_start3A_96 = arith.constant 0 : i32
      %dma_start3A_97 = arith.constant 0 : i32
      %dma_start3A_98 = tpu.memref_slice %arg4[%add3A_31, %dma_start3A_96, %dma_start3A_97] : memref<4096x50x128xf32, #tpu.memory_space<hbm>> -> memref<1x50x128xf32, #tpu.memory_space<hbm>>
      %dma_start3A_99 = tpu.memref_squeeze %dma_start3A_98 : memref<1x50x128xf32, #tpu.memory_space<hbm>> -> memref<50x128xf32, #tpu.memory_space<hbm>>
      %dma_start3A_100 = arith.constant 0 : i32
      %dma_start3A_101 = arith.constant 0 : i32
      %dma_start3A_102 = tpu.memref_slice %arg4[%add3A_31, %dma_start3A_100, %dma_start3A_101] : memref<4096x50x128xf32, #tpu.memory_space<hbm>> -> memref<1x50x128xf32, #tpu.memory_space<hbm>>
      %dma_start3A_103 = tpu.memref_squeeze %dma_start3A_102 : memref<1x50x128xf32, #tpu.memory_space<hbm>> -> memref<50x128xf32, #tpu.memory_space<hbm>>
      %dma_start3A_104 = arith.constant 50 : i32
      %dma_start3A_105 = arith.constant 0 : i32
      %dma_start3A_106 = tpu.memref_slice %arg6[%dma_start3A_104, %dma_start3A_105] : memref<400x128xf32, #tpu.memory_space<vmem>> -> memref<50x128xf32, #tpu.memory_space<vmem>>
      tpu.enqueue_dma source(%dma_start3A_106 : memref<50x128xf32, #tpu.memory_space<vmem>>) target(%dma_start3A_103 : memref<50x128xf32, #tpu.memory_space<hbm>>) target_semaphore(%run_scoped3A : memref<!tpu.dma_semaphore, #tpu.memory_space<semaphore_mem>>)
      %dma_wait3A_107 = arith.constant 50 : i32
      %dma_wait3A_108 = arith.constant 0 : i32
      %dma_wait3A_109 = tpu.memref_slice %arg6[%dma_wait3A_107, %dma_wait3A_108] : memref<400x128xf32, #tpu.memory_space<vmem>> -> memref<50x128xf32, #tpu.memory_space<vmem>>
      %dma_wait3A_110 = arith.constant 0 : i32
      %dma_wait3A_111 = arith.constant 0 : i32
      %dma_wait3A_112 = tpu.memref_slice %arg4[%add3A_31, %dma_wait3A_110, %dma_wait3A_111] : memref<4096x50x128xf32, #tpu.memory_space<hbm>> -> memref<1x50x128xf32, #tpu.memory_space<hbm>>
      %dma_wait3A_113 = tpu.memref_squeeze %dma_wait3A_112 : memref<1x50x128xf32, #tpu.memory_space<hbm>> -> memref<50x128xf32, #tpu.memory_space<hbm>>
      %dma_wait3A_114 = arith.constant 0 : i32
      %dma_wait3A_115 = arith.constant 0 : i32
      %dma_wait3A_116 = tpu.memref_slice %arg4[%add3A_31, %dma_wait3A_114, %dma_wait3A_115] : memref<4096x50x128xf32, #tpu.memory_space<hbm>> -> memref<1x50x128xf32, #tpu.memory_space<hbm>>
      %dma_wait3A_117 = tpu.memref_squeeze %dma_wait3A_116 : memref<1x50x128xf32, #tpu.memory_space<hbm>> -> memref<50x128xf32, #tpu.memory_space<hbm>>
      %dma_wait3A_118 = arith.constant 50 : i32
      %dma_wait3A_119 = arith.constant 0 : i32
      %dma_wait3A_120 = tpu.memref_slice %arg6[%dma_wait3A_118, %dma_wait3A_119] : memref<400x128xf32, #tpu.memory_space<vmem>> -> memref<50x128xf32, #tpu.memory_space<vmem>>
      tpu.wait_dma2 semaphore(%run_scoped3A : memref<!tpu.dma_semaphore, #tpu.memory_space<semaphore_mem>>) src(%dma_wait3A_120 : memref<50x128xf32, #tpu.memory_space<vmem>>) dst(%dma_wait3A_117 : memref<50x128xf32, #tpu.memory_space<hbm>>)
      tpu.yield
    }) : () -> ()
    %add3A_32 = arith.constant 112 : i32
    %add3A_33 = arith.addi %mul3A_4, %add3A_32 : i32
    %add3A_34 = arith.constant 2 : i32
    %add3A_35 = arith.addi %add3A_33, %add3A_34 : i32
    "tpu.region"() ({
      %run_scoped3A = tpu.sem_alloc : memref<!tpu.dma_semaphore, #tpu.memory_space<semaphore_mem>>
      %dma_start3A_93 = arith.constant 100 : i32
      %dma_start3A_94 = arith.constant 0 : i32
      %dma_start3A_95 = tpu.memref_slice %arg6[%dma_start3A_93, %dma_start3A_94] : memref<400x128xf32, #tpu.memory_space<vmem>> -> memref<50x128xf32, #tpu.memory_space<vmem>>
      %dma_start3A_96 = arith.constant 0 : i32
      %dma_start3A_97 = arith.constant 0 : i32
      %dma_start3A_98 = tpu.memref_slice %arg4[%add3A_35, %dma_start3A_96, %dma_start3A_97] : memref<4096x50x128xf32, #tpu.memory_space<hbm>> -> memref<1x50x128xf32, #tpu.memory_space<hbm>>
      %dma_start3A_99 = tpu.memref_squeeze %dma_start3A_98 : memref<1x50x128xf32, #tpu.memory_space<hbm>> -> memref<50x128xf32, #tpu.memory_space<hbm>>
      %dma_start3A_100 = arith.constant 0 : i32
      %dma_start3A_101 = arith.constant 0 : i32
      %dma_start3A_102 = tpu.memref_slice %arg4[%add3A_35, %dma_start3A_100, %dma_start3A_101] : memref<4096x50x128xf32, #tpu.memory_space<hbm>> -> memref<1x50x128xf32, #tpu.memory_space<hbm>>
      %dma_start3A_103 = tpu.memref_squeeze %dma_start3A_102 : memref<1x50x128xf32, #tpu.memory_space<hbm>> -> memref<50x128xf32, #tpu.memory_space<hbm>>
      %dma_start3A_104 = arith.constant 100 : i32
      %dma_start3A_105 = arith.constant 0 : i32
      %dma_start3A_106 = tpu.memref_slice %arg6[%dma_start3A_104, %dma_start3A_105] : memref<400x128xf32, #tpu.memory_space<vmem>> -> memref<50x128xf32, #tpu.memory_space<vmem>>
      tpu.enqueue_dma source(%dma_start3A_106 : memref<50x128xf32, #tpu.memory_space<vmem>>) target(%dma_start3A_103 : memref<50x128xf32, #tpu.memory_space<hbm>>) target_semaphore(%run_scoped3A : memref<!tpu.dma_semaphore, #tpu.memory_space<semaphore_mem>>)
      %dma_wait3A_107 = arith.constant 100 : i32
      %dma_wait3A_108 = arith.constant 0 : i32
      %dma_wait3A_109 = tpu.memref_slice %arg6[%dma_wait3A_107, %dma_wait3A_108] : memref<400x128xf32, #tpu.memory_space<vmem>> -> memref<50x128xf32, #tpu.memory_space<vmem>>
      %dma_wait3A_110 = arith.constant 0 : i32
      %dma_wait3A_111 = arith.constant 0 : i32
      %dma_wait3A_112 = tpu.memref_slice %arg4[%add3A_35, %dma_wait3A_110, %dma_wait3A_111] : memref<4096x50x128xf32, #tpu.memory_space<hbm>> -> memref<1x50x128xf32, #tpu.memory_space<hbm>>
      %dma_wait3A_113 = tpu.memref_squeeze %dma_wait3A_112 : memref<1x50x128xf32, #tpu.memory_space<hbm>> -> memref<50x128xf32, #tpu.memory_space<hbm>>
      %dma_wait3A_114 = arith.constant 0 : i32
      %dma_wait3A_115 = arith.constant 0 : i32
      %dma_wait3A_116 = tpu.memref_slice %arg4[%add3A_35, %dma_wait3A_114, %dma_wait3A_115] : memref<4096x50x128xf32, #tpu.memory_space<hbm>> -> memref<1x50x128xf32, #tpu.memory_space<hbm>>
      %dma_wait3A_117 = tpu.memref_squeeze %dma_wait3A_116 : memref<1x50x128xf32, #tpu.memory_space<hbm>> -> memref<50x128xf32, #tpu.memory_space<hbm>>
      %dma_wait3A_118 = arith.constant 100 : i32
      %dma_wait3A_119 = arith.constant 0 : i32
      %dma_wait3A_120 = tpu.memref_slice %arg6[%dma_wait3A_118, %dma_wait3A_119] : memref<400x128xf32, #tpu.memory_space<vmem>> -> memref<50x128xf32, #tpu.memory_space<vmem>>
      tpu.wait_dma2 semaphore(%run_scoped3A : memref<!tpu.dma_semaphore, #tpu.memory_space<semaphore_mem>>) src(%dma_wait3A_120 : memref<50x128xf32, #tpu.memory_space<vmem>>) dst(%dma_wait3A_117 : memref<50x128xf32, #tpu.memory_space<hbm>>)
      tpu.yield
    }) : () -> ()
    %add3A_36 = arith.constant 112 : i32
    %add3A_37 = arith.addi %mul3A_4, %add3A_36 : i32
    %add3A_38 = arith.constant 3 : i32
    %add3A_39 = arith.addi %add3A_37, %add3A_38 : i32
    "tpu.region"() ({
      %run_scoped3A = tpu.sem_alloc : memref<!tpu.dma_semaphore, #tpu.memory_space<semaphore_mem>>
      %dma_start3A_93 = arith.constant 150 : i32
      %dma_start3A_94 = arith.constant 0 : i32
      %dma_start3A_95 = tpu.memref_slice %arg6[%dma_start3A_93, %dma_start3A_94] : memref<400x128xf32, #tpu.memory_space<vmem>> -> memref<50x128xf32, #tpu.memory_space<vmem>>
      %dma_start3A_96 = arith.constant 0 : i32
      %dma_start3A_97 = arith.constant 0 : i32
      %dma_start3A_98 = tpu.memref_slice %arg4[%add3A_39, %dma_start3A_96, %dma_start3A_97] : memref<4096x50x128xf32, #tpu.memory_space<hbm>> -> memref<1x50x128xf32, #tpu.memory_space<hbm>>
      %dma_start3A_99 = tpu.memref_squeeze %dma_start3A_98 : memref<1x50x128xf32, #tpu.memory_space<hbm>> -> memref<50x128xf32, #tpu.memory_space<hbm>>
      %dma_start3A_100 = arith.constant 0 : i32
      %dma_start3A_101 = arith.constant 0 : i32
      %dma_start3A_102 = tpu.memref_slice %arg4[%add3A_39, %dma_start3A_100, %dma_start3A_101] : memref<4096x50x128xf32, #tpu.memory_space<hbm>> -> memref<1x50x128xf32, #tpu.memory_space<hbm>>
      %dma_start3A_103 = tpu.memref_squeeze %dma_start3A_102 : memref<1x50x128xf32, #tpu.memory_space<hbm>> -> memref<50x128xf32, #tpu.memory_space<hbm>>
      %dma_start3A_104 = arith.constant 150 : i32
      %dma_start3A_105 = arith.constant 0 : i32
      %dma_start3A_106 = tpu.memref_slice %arg6[%dma_start3A_104, %dma_start3A_105] : memref<400x128xf32, #tpu.memory_space<vmem>> -> memref<50x128xf32, #tpu.memory_space<vmem>>
      tpu.enqueue_dma source(%dma_start3A_106 : memref<50x128xf32, #tpu.memory_space<vmem>>) target(%dma_start3A_103 : memref<50x128xf32, #tpu.memory_space<hbm>>) target_semaphore(%run_scoped3A : memref<!tpu.dma_semaphore, #tpu.memory_space<semaphore_mem>>)
      %dma_wait3A_107 = arith.constant 150 : i32
      %dma_wait3A_108 = arith.constant 0 : i32
      %dma_wait3A_109 = tpu.memref_slice %arg6[%dma_wait3A_107, %dma_wait3A_108] : memref<400x128xf32, #tpu.memory_space<vmem>> -> memref<50x128xf32, #tpu.memory_space<vmem>>
      %dma_wait3A_110 = arith.constant 0 : i32
      %dma_wait3A_111 = arith.constant 0 : i32
      %dma_wait3A_112 = tpu.memref_slice %arg4[%add3A_39, %dma_wait3A_110, %dma_wait3A_111] : memref<4096x50x128xf32, #tpu.memory_space<hbm>> -> memref<1x50x128xf32, #tpu.memory_space<hbm>>
      %dma_wait3A_113 = tpu.memref_squeeze %dma_wait3A_112 : memref<1x50x128xf32, #tpu.memory_space<hbm>> -> memref<50x128xf32, #tpu.memory_space<hbm>>
      %dma_wait3A_114 = arith.constant 0 : i32
      %dma_wait3A_115 = arith.constant 0 : i32
      %dma_wait3A_116 = tpu.memref_slice %arg4[%add3A_39, %dma_wait3A_114, %dma_wait3A_115] : memref<4096x50x128xf32, #tpu.memory_space<hbm>> -> memref<1x50x128xf32, #tpu.memory_space<hbm>>
      %dma_wait3A_117 = tpu.memref_squeeze %dma_wait3A_116 : memref<1x50x128xf32, #tpu.memory_space<hbm>> -> memref<50x128xf32, #tpu.memory_space<hbm>>
      %dma_wait3A_118 = arith.constant 150 : i32
      %dma_wait3A_119 = arith.constant 0 : i32
      %dma_wait3A_120 = tpu.memref_slice %arg6[%dma_wait3A_118, %dma_wait3A_119] : memref<400x128xf32, #tpu.memory_space<vmem>> -> memref<50x128xf32, #tpu.memory_space<vmem>>
      tpu.wait_dma2 semaphore(%run_scoped3A : memref<!tpu.dma_semaphore, #tpu.memory_space<semaphore_mem>>) src(%dma_wait3A_120 : memref<50x128xf32, #tpu.memory_space<vmem>>) dst(%dma_wait3A_117 : memref<50x128xf32, #tpu.memory_space<hbm>>)
      tpu.yield
    }) : () -> ()
    %add3A_40 = arith.constant 112 : i32
    %add3A_41 = arith.addi %mul3A_4, %add3A_40 : i32
    %add3A_42 = arith.constant 4 : i32
    %add3A_43 = arith.addi %add3A_41, %add3A_42 : i32
    "tpu.region"() ({
      %run_scoped3A = tpu.sem_alloc : memref<!tpu.dma_semaphore, #tpu.memory_space<semaphore_mem>>
      %dma_start3A_93 = arith.constant 200 : i32
      %dma_start3A_94 = arith.constant 0 : i32
      %dma_start3A_95 = tpu.memref_slice %arg6[%dma_start3A_93, %dma_start3A_94] : memref<400x128xf32, #tpu.memory_space<vmem>> -> memref<50x128xf32, #tpu.memory_space<vmem>>
      %dma_start3A_96 = arith.constant 0 : i32
      %dma_start3A_97 = arith.constant 0 : i32
      %dma_start3A_98 = tpu.memref_slice %arg4[%add3A_43, %dma_start3A_96, %dma_start3A_97] : memref<4096x50x128xf32, #tpu.memory_space<hbm>> -> memref<1x50x128xf32, #tpu.memory_space<hbm>>
      %dma_start3A_99 = tpu.memref_squeeze %dma_start3A_98 : memref<1x50x128xf32, #tpu.memory_space<hbm>> -> memref<50x128xf32, #tpu.memory_space<hbm>>
      %dma_start3A_100 = arith.constant 0 : i32
      %dma_start3A_101 = arith.constant 0 : i32
      %dma_start3A_102 = tpu.memref_slice %arg4[%add3A_43, %dma_start3A_100, %dma_start3A_101] : memref<4096x50x128xf32, #tpu.memory_space<hbm>> -> memref<1x50x128xf32, #tpu.memory_space<hbm>>
      %dma_start3A_103 = tpu.memref_squeeze %dma_start3A_102 : memref<1x50x128xf32, #tpu.memory_space<hbm>> -> memref<50x128xf32, #tpu.memory_space<hbm>>
      %dma_start3A_104 = arith.constant 200 : i32
      %dma_start3A_105 = arith.constant 0 : i32
      %dma_start3A_106 = tpu.memref_slice %arg6[%dma_start3A_104, %dma_start3A_105] : memref<400x128xf32, #tpu.memory_space<vmem>> -> memref<50x128xf32, #tpu.memory_space<vmem>>
      tpu.enqueue_dma source(%dma_start3A_106 : memref<50x128xf32, #tpu.memory_space<vmem>>) target(%dma_start3A_103 : memref<50x128xf32, #tpu.memory_space<hbm>>) target_semaphore(%run_scoped3A : memref<!tpu.dma_semaphore, #tpu.memory_space<semaphore_mem>>)
      %dma_wait3A_107 = arith.constant 200 : i32
      %dma_wait3A_108 = arith.constant 0 : i32
      %dma_wait3A_109 = tpu.memref_slice %arg6[%dma_wait3A_107, %dma_wait3A_108] : memref<400x128xf32, #tpu.memory_space<vmem>> -> memref<50x128xf32, #tpu.memory_space<vmem>>
      %dma_wait3A_110 = arith.constant 0 : i32
      %dma_wait3A_111 = arith.constant 0 : i32
      %dma_wait3A_112 = tpu.memref_slice %arg4[%add3A_43, %dma_wait3A_110, %dma_wait3A_111] : memref<4096x50x128xf32, #tpu.memory_space<hbm>> -> memref<1x50x128xf32, #tpu.memory_space<hbm>>
      %dma_wait3A_113 = tpu.memref_squeeze %dma_wait3A_112 : memref<1x50x128xf32, #tpu.memory_space<hbm>> -> memref<50x128xf32, #tpu.memory_space<hbm>>
      %dma_wait3A_114 = arith.constant 0 : i32
      %dma_wait3A_115 = arith.constant 0 : i32
      %dma_wait3A_116 = tpu.memref_slice %arg4[%add3A_43, %dma_wait3A_114, %dma_wait3A_115] : memref<4096x50x128xf32, #tpu.memory_space<hbm>> -> memref<1x50x128xf32, #tpu.memory_space<hbm>>
      %dma_wait3A_117 = tpu.memref_squeeze %dma_wait3A_116 : memref<1x50x128xf32, #tpu.memory_space<hbm>> -> memref<50x128xf32, #tpu.memory_space<hbm>>
      %dma_wait3A_118 = arith.constant 200 : i32
      %dma_wait3A_119 = arith.constant 0 : i32
      %dma_wait3A_120 = tpu.memref_slice %arg6[%dma_wait3A_118, %dma_wait3A_119] : memref<400x128xf32, #tpu.memory_space<vmem>> -> memref<50x128xf32, #tpu.memory_space<vmem>>
      tpu.wait_dma2 semaphore(%run_scoped3A : memref<!tpu.dma_semaphore, #tpu.memory_space<semaphore_mem>>) src(%dma_wait3A_120 : memref<50x128xf32, #tpu.memory_space<vmem>>) dst(%dma_wait3A_117 : memref<50x128xf32, #tpu.memory_space<hbm>>)
      tpu.yield
    }) : () -> ()
    %add3A_44 = arith.constant 112 : i32
    %add3A_45 = arith.addi %mul3A_4, %add3A_44 : i32
    %add3A_46 = arith.constant 5 : i32
    %add3A_47 = arith.addi %add3A_45, %add3A_46 : i32
    "tpu.region"() ({
      %run_scoped3A = tpu.sem_alloc : memref<!tpu.dma_semaphore, #tpu.memory_space<semaphore_mem>>
      %dma_start3A_93 = arith.constant 250 : i32
      %dma_start3A_94 = arith.constant 0 : i32
      %dma_start3A_95 = tpu.memref_slice %arg6[%dma_start3A_93, %dma_start3A_94] : memref<400x128xf32, #tpu.memory_space<vmem>> -> memref<50x128xf32, #tpu.memory_space<vmem>>
      %dma_start3A_96 = arith.constant 0 : i32
      %dma_start3A_97 = arith.constant 0 : i32
      %dma_start3A_98 = tpu.memref_slice %arg4[%add3A_47, %dma_start3A_96, %dma_start3A_97] : memref<4096x50x128xf32, #tpu.memory_space<hbm>> -> memref<1x50x128xf32, #tpu.memory_space<hbm>>
      %dma_start3A_99 = tpu.memref_squeeze %dma_start3A_98 : memref<1x50x128xf32, #tpu.memory_space<hbm>> -> memref<50x128xf32, #tpu.memory_space<hbm>>
      %dma_start3A_100 = arith.constant 0 : i32
      %dma_start3A_101 = arith.constant 0 : i32
      %dma_start3A_102 = tpu.memref_slice %arg4[%add3A_47, %dma_start3A_100, %dma_start3A_101] : memref<4096x50x128xf32, #tpu.memory_space<hbm>> -> memref<1x50x128xf32, #tpu.memory_space<hbm>>
      %dma_start3A_103 = tpu.memref_squeeze %dma_start3A_102 : memref<1x50x128xf32, #tpu.memory_space<hbm>> -> memref<50x128xf32, #tpu.memory_space<hbm>>
      %dma_start3A_104 = arith.constant 250 : i32
      %dma_start3A_105 = arith.constant 0 : i32
      %dma_start3A_106 = tpu.memref_slice %arg6[%dma_start3A_104, %dma_start3A_105] : memref<400x128xf32, #tpu.memory_space<vmem>> -> memref<50x128xf32, #tpu.memory_space<vmem>>
      tpu.enqueue_dma source(%dma_start3A_106 : memref<50x128xf32, #tpu.memory_space<vmem>>) target(%dma_start3A_103 : memref<50x128xf32, #tpu.memory_space<hbm>>) target_semaphore(%run_scoped3A : memref<!tpu.dma_semaphore, #tpu.memory_space<semaphore_mem>>)
      %dma_wait3A_107 = arith.constant 250 : i32
      %dma_wait3A_108 = arith.constant 0 : i32
      %dma_wait3A_109 = tpu.memref_slice %arg6[%dma_wait3A_107, %dma_wait3A_108] : memref<400x128xf32, #tpu.memory_space<vmem>> -> memref<50x128xf32, #tpu.memory_space<vmem>>
      %dma_wait3A_110 = arith.constant 0 : i32
      %dma_wait3A_111 = arith.constant 0 : i32
      %dma_wait3A_112 = tpu.memref_slice %arg4[%add3A_47, %dma_wait3A_110, %dma_wait3A_111] : memref<4096x50x128xf32, #tpu.memory_space<hbm>> -> memref<1x50x128xf32, #tpu.memory_space<hbm>>
      %dma_wait3A_113 = tpu.memref_squeeze %dma_wait3A_112 : memref<1x50x128xf32, #tpu.memory_space<hbm>> -> memref<50x128xf32, #tpu.memory_space<hbm>>
      %dma_wait3A_114 = arith.constant 0 : i32
      %dma_wait3A_115 = arith.constant 0 : i32
      %dma_wait3A_116 = tpu.memref_slice %arg4[%add3A_47, %dma_wait3A_114, %dma_wait3A_115] : memref<4096x50x128xf32, #tpu.memory_space<hbm>> -> memref<1x50x128xf32, #tpu.memory_space<hbm>>
      %dma_wait3A_117 = tpu.memref_squeeze %dma_wait3A_116 : memref<1x50x128xf32, #tpu.memory_space<hbm>> -> memref<50x128xf32, #tpu.memory_space<hbm>>
      %dma_wait3A_118 = arith.constant 250 : i32
      %dma_wait3A_119 = arith.constant 0 : i32
      %dma_wait3A_120 = tpu.memref_slice %arg6[%dma_wait3A_118, %dma_wait3A_119] : memref<400x128xf32, #tpu.memory_space<vmem>> -> memref<50x128xf32, #tpu.memory_space<vmem>>
      tpu.wait_dma2 semaphore(%run_scoped3A : memref<!tpu.dma_semaphore, #tpu.memory_space<semaphore_mem>>) src(%dma_wait3A_120 : memref<50x128xf32, #tpu.memory_space<vmem>>) dst(%dma_wait3A_117 : memref<50x128xf32, #tpu.memory_space<hbm>>)
      tpu.yield
    }) : () -> ()
    %add3A_48 = arith.constant 112 : i32
    %add3A_49 = arith.addi %mul3A_4, %add3A_48 : i32
    %add3A_50 = arith.constant 6 : i32
    %add3A_51 = arith.addi %add3A_49, %add3A_50 : i32
    "tpu.region"() ({
      %run_scoped3A = tpu.sem_alloc : memref<!tpu.dma_semaphore, #tpu.memory_space<semaphore_mem>>
      %dma_start3A_93 = arith.constant 300 : i32
      %dma_start3A_94 = arith.constant 0 : i32
      %dma_start3A_95 = tpu.memref_slice %arg6[%dma_start3A_93, %dma_start3A_94] : memref<400x128xf32, #tpu.memory_space<vmem>> -> memref<50x128xf32, #tpu.memory_space<vmem>>
      %dma_start3A_96 = arith.constant 0 : i32
      %dma_start3A_97 = arith.constant 0 : i32
      %dma_start3A_98 = tpu.memref_slice %arg4[%add3A_51, %dma_start3A_96, %dma_start3A_97] : memref<4096x50x128xf32, #tpu.memory_space<hbm>> -> memref<1x50x128xf32, #tpu.memory_space<hbm>>
      %dma_start3A_99 = tpu.memref_squeeze %dma_start3A_98 : memref<1x50x128xf32, #tpu.memory_space<hbm>> -> memref<50x128xf32, #tpu.memory_space<hbm>>
      %dma_start3A_100 = arith.constant 0 : i32
      %dma_start3A_101 = arith.constant 0 : i32
      %dma_start3A_102 = tpu.memref_slice %arg4[%add3A_51, %dma_start3A_100, %dma_start3A_101] : memref<4096x50x128xf32, #tpu.memory_space<hbm>> -> memref<1x50x128xf32, #tpu.memory_space<hbm>>
      %dma_start3A_103 = tpu.memref_squeeze %dma_start3A_102 : memref<1x50x128xf32, #tpu.memory_space<hbm>> -> memref<50x128xf32, #tpu.memory_space<hbm>>
      %dma_start3A_104 = arith.constant 300 : i32
      %dma_start3A_105 = arith.constant 0 : i32
      %dma_start3A_106 = tpu.memref_slice %arg6[%dma_start3A_104, %dma_start3A_105] : memref<400x128xf32, #tpu.memory_space<vmem>> -> memref<50x128xf32, #tpu.memory_space<vmem>>
      tpu.enqueue_dma source(%dma_start3A_106 : memref<50x128xf32, #tpu.memory_space<vmem>>) target(%dma_start3A_103 : memref<50x128xf32, #tpu.memory_space<hbm>>) target_semaphore(%run_scoped3A : memref<!tpu.dma_semaphore, #tpu.memory_space<semaphore_mem>>)
      %dma_wait3A_107 = arith.constant 300 : i32
      %dma_wait3A_108 = arith.constant 0 : i32
      %dma_wait3A_109 = tpu.memref_slice %arg6[%dma_wait3A_107, %dma_wait3A_108] : memref<400x128xf32, #tpu.memory_space<vmem>> -> memref<50x128xf32, #tpu.memory_space<vmem>>
      %dma_wait3A_110 = arith.constant 0 : i32
      %dma_wait3A_111 = arith.constant 0 : i32
      %dma_wait3A_112 = tpu.memref_slice %arg4[%add3A_51, %dma_wait3A_110, %dma_wait3A_111] : memref<4096x50x128xf32, #tpu.memory_space<hbm>> -> memref<1x50x128xf32, #tpu.memory_space<hbm>>
      %dma_wait3A_113 = tpu.memref_squeeze %dma_wait3A_112 : memref<1x50x128xf32, #tpu.memory_space<hbm>> -> memref<50x128xf32, #tpu.memory_space<hbm>>
      %dma_wait3A_114 = arith.constant 0 : i32
      %dma_wait3A_115 = arith.constant 0 : i32
      %dma_wait3A_116 = tpu.memref_slice %arg4[%add3A_51, %dma_wait3A_114, %dma_wait3A_115] : memref<4096x50x128xf32, #tpu.memory_space<hbm>> -> memref<1x50x128xf32, #tpu.memory_space<hbm>>
      %dma_wait3A_117 = tpu.memref_squeeze %dma_wait3A_116 : memref<1x50x128xf32, #tpu.memory_space<hbm>> -> memref<50x128xf32, #tpu.memory_space<hbm>>
      %dma_wait3A_118 = arith.constant 300 : i32
      %dma_wait3A_119 = arith.constant 0 : i32
      %dma_wait3A_120 = tpu.memref_slice %arg6[%dma_wait3A_118, %dma_wait3A_119] : memref<400x128xf32, #tpu.memory_space<vmem>> -> memref<50x128xf32, #tpu.memory_space<vmem>>
      tpu.wait_dma2 semaphore(%run_scoped3A : memref<!tpu.dma_semaphore, #tpu.memory_space<semaphore_mem>>) src(%dma_wait3A_120 : memref<50x128xf32, #tpu.memory_space<vmem>>) dst(%dma_wait3A_117 : memref<50x128xf32, #tpu.memory_space<hbm>>)
      tpu.yield
    }) : () -> ()
    %add3A_52 = arith.constant 112 : i32
    %add3A_53 = arith.addi %mul3A_4, %add3A_52 : i32
    %add3A_54 = arith.constant 7 : i32
    %add3A_55 = arith.addi %add3A_53, %add3A_54 : i32
    "tpu.region"() ({
      %run_scoped3A = tpu.sem_alloc : memref<!tpu.dma_semaphore, #tpu.memory_space<semaphore_mem>>
      %dma_start3A_93 = arith.constant 350 : i32
      %dma_start3A_94 = arith.constant 0 : i32
      %dma_start3A_95 = tpu.memref_slice %arg6[%dma_start3A_93, %dma_start3A_94] : memref<400x128xf32, #tpu.memory_space<vmem>> -> memref<50x128xf32, #tpu.memory_space<vmem>>
      %dma_start3A_96 = arith.constant 0 : i32
      %dma_start3A_97 = arith.constant 0 : i32
      %dma_start3A_98 = tpu.memref_slice %arg4[%add3A_55, %dma_start3A_96, %dma_start3A_97] : memref<4096x50x128xf32, #tpu.memory_space<hbm>> -> memref<1x50x128xf32, #tpu.memory_space<hbm>>
      %dma_start3A_99 = tpu.memref_squeeze %dma_start3A_98 : memref<1x50x128xf32, #tpu.memory_space<hbm>> -> memref<50x128xf32, #tpu.memory_space<hbm>>
      %dma_start3A_100 = arith.constant 0 : i32
      %dma_start3A_101 = arith.constant 0 : i32
      %dma_start3A_102 = tpu.memref_slice %arg4[%add3A_55, %dma_start3A_100, %dma_start3A_101] : memref<4096x50x128xf32, #tpu.memory_space<hbm>> -> memref<1x50x128xf32, #tpu.memory_space<hbm>>
      %dma_start3A_103 = tpu.memref_squeeze %dma_start3A_102 : memref<1x50x128xf32, #tpu.memory_space<hbm>> -> memref<50x128xf32, #tpu.memory_space<hbm>>
      %dma_start3A_104 = arith.constant 350 : i32
      %dma_start3A_105 = arith.constant 0 : i32
      %dma_start3A_106 = tpu.memref_slice %arg6[%dma_start3A_104, %dma_start3A_105] : memref<400x128xf32, #tpu.memory_space<vmem>> -> memref<50x128xf32, #tpu.memory_space<vmem>>
      tpu.enqueue_dma source(%dma_start3A_106 : memref<50x128xf32, #tpu.memory_space<vmem>>) target(%dma_start3A_103 : memref<50x128xf32, #tpu.memory_space<hbm>>) target_semaphore(%run_scoped3A : memref<!tpu.dma_semaphore, #tpu.memory_space<semaphore_mem>>)
      %dma_wait3A_107 = arith.constant 350 : i32
      %dma_wait3A_108 = arith.constant 0 : i32
      %dma_wait3A_109 = tpu.memref_slice %arg6[%dma_wait3A_107, %dma_wait3A_108] : memref<400x128xf32, #tpu.memory_space<vmem>> -> memref<50x128xf32, #tpu.memory_space<vmem>>
      %dma_wait3A_110 = arith.constant 0 : i32
      %dma_wait3A_111 = arith.constant 0 : i32
      %dma_wait3A_112 = tpu.memref_slice %arg4[%add3A_55, %dma_wait3A_110, %dma_wait3A_111] : memref<4096x50x128xf32, #tpu.memory_space<hbm>> -> memref<1x50x128xf32, #tpu.memory_space<hbm>>
      %dma_wait3A_113 = tpu.memref_squeeze %dma_wait3A_112 : memref<1x50x128xf32, #tpu.memory_space<hbm>> -> memref<50x128xf32, #tpu.memory_space<hbm>>
      %dma_wait3A_114 = arith.constant 0 : i32
      %dma_wait3A_115 = arith.constant 0 : i32
      %dma_wait3A_116 = tpu.memref_slice %arg4[%add3A_55, %dma_wait3A_114, %dma_wait3A_115] : memref<4096x50x128xf32, #tpu.memory_space<hbm>> -> memref<1x50x128xf32, #tpu.memory_space<hbm>>
      %dma_wait3A_117 = tpu.memref_squeeze %dma_wait3A_116 : memref<1x50x128xf32, #tpu.memory_space<hbm>> -> memref<50x128xf32, #tpu.memory_space<hbm>>
      %dma_wait3A_118 = arith.constant 350 : i32
      %dma_wait3A_119 = arith.constant 0 : i32
      %dma_wait3A_120 = tpu.memref_slice %arg6[%dma_wait3A_118, %dma_wait3A_119] : memref<400x128xf32, #tpu.memory_space<vmem>> -> memref<50x128xf32, #tpu.memory_space<vmem>>
      tpu.wait_dma2 semaphore(%run_scoped3A : memref<!tpu.dma_semaphore, #tpu.memory_space<semaphore_mem>>) src(%dma_wait3A_120 : memref<50x128xf32, #tpu.memory_space<vmem>>) dst(%dma_wait3A_117 : memref<50x128xf32, #tpu.memory_space<hbm>>)
      tpu.yield
    }) : () -> ()
    %dma_wait3A_56 = arith.constant 6000 : i32
    %dma_wait3A_57 = tpu.memref_slice %arg5[%dma_wait3A_56] : memref<6400xi32, #tpu.memory_space<vmem>> -> memref<400xi32, #tpu.memory_space<vmem>>
    %dma_wait3A_58 = arith.constant 0 : i32
    %dma_wait3A_59 = arith.constant 0 : i32
    %dma_wait3A_60 = tpu.memref_slice %arg3[%dma_wait3A_58, %dma_wait3A_59] : memref<1000000x128xf32, #tpu.memory_space<hbm>> -> memref<1000000x128xf32, #tpu.memory_space<hbm>>
    tpu.wait_indirect_dma semaphore(%arg9 : memref<!tpu.dma_semaphore, #tpu.memory_space<semaphore_mem>>) src(%dma_wait3A_60 : memref<1000000x128xf32, #tpu.memory_space<hbm>>) dst(%arg7 : memref<400x128xf32, #tpu.memory_space<vmem>>)
    %add3A_61 = arith.constant 120 : i32
    %add3A_62 = arith.addi %mul3A_4, %add3A_61 : i32
    %add3A_63 = arith.constant 0 : i32
    %add3A_64 = arith.addi %add3A_62, %add3A_63 : i32
    "tpu.region"() ({
      %run_scoped3A = tpu.sem_alloc : memref<!tpu.dma_semaphore, #tpu.memory_space<semaphore_mem>>
      %dma_start3A_93 = arith.constant 0 : i32
      %dma_start3A_94 = arith.constant 0 : i32
      %dma_start3A_95 = tpu.memref_slice %arg7[%dma_start3A_93, %dma_start3A_94] : memref<400x128xf32, #tpu.memory_space<vmem>> -> memref<50x128xf32, #tpu.memory_space<vmem>>
      %dma_start3A_96 = arith.constant 0 : i32
      %dma_start3A_97 = arith.constant 0 : i32
      %dma_start3A_98 = tpu.memref_slice %arg4[%add3A_64, %dma_start3A_96, %dma_start3A_97] : memref<4096x50x128xf32, #tpu.memory_space<hbm>> -> memref<1x50x128xf32, #tpu.memory_space<hbm>>
      %dma_start3A_99 = tpu.memref_squeeze %dma_start3A_98 : memref<1x50x128xf32, #tpu.memory_space<hbm>> -> memref<50x128xf32, #tpu.memory_space<hbm>>
      %dma_start3A_100 = arith.constant 0 : i32
      %dma_start3A_101 = arith.constant 0 : i32
      %dma_start3A_102 = tpu.memref_slice %arg4[%add3A_64, %dma_start3A_100, %dma_start3A_101] : memref<4096x50x128xf32, #tpu.memory_space<hbm>> -> memref<1x50x128xf32, #tpu.memory_space<hbm>>
      %dma_start3A_103 = tpu.memref_squeeze %dma_start3A_102 : memref<1x50x128xf32, #tpu.memory_space<hbm>> -> memref<50x128xf32, #tpu.memory_space<hbm>>
      %dma_start3A_104 = arith.constant 0 : i32
      %dma_start3A_105 = arith.constant 0 : i32
      %dma_start3A_106 = tpu.memref_slice %arg7[%dma_start3A_104, %dma_start3A_105] : memref<400x128xf32, #tpu.memory_space<vmem>> -> memref<50x128xf32, #tpu.memory_space<vmem>>
      tpu.enqueue_dma source(%dma_start3A_106 : memref<50x128xf32, #tpu.memory_space<vmem>>) target(%dma_start3A_103 : memref<50x128xf32, #tpu.memory_space<hbm>>) target_semaphore(%run_scoped3A : memref<!tpu.dma_semaphore, #tpu.memory_space<semaphore_mem>>)
      %dma_wait3A_107 = arith.constant 0 : i32
      %dma_wait3A_108 = arith.constant 0 : i32
      %dma_wait3A_109 = tpu.memref_slice %arg7[%dma_wait3A_107, %dma_wait3A_108] : memref<400x128xf32, #tpu.memory_space<vmem>> -> memref<50x128xf32, #tpu.memory_space<vmem>>
      %dma_wait3A_110 = arith.constant 0 : i32
      %dma_wait3A_111 = arith.constant 0 : i32
      %dma_wait3A_112 = tpu.memref_slice %arg4[%add3A_64, %dma_wait3A_110, %dma_wait3A_111] : memref<4096x50x128xf32, #tpu.memory_space<hbm>> -> memref<1x50x128xf32, #tpu.memory_space<hbm>>
      %dma_wait3A_113 = tpu.memref_squeeze %dma_wait3A_112 : memref<1x50x128xf32, #tpu.memory_space<hbm>> -> memref<50x128xf32, #tpu.memory_space<hbm>>
      %dma_wait3A_114 = arith.constant 0 : i32
      %dma_wait3A_115 = arith.constant 0 : i32
      %dma_wait3A_116 = tpu.memref_slice %arg4[%add3A_64, %dma_wait3A_114, %dma_wait3A_115] : memref<4096x50x128xf32, #tpu.memory_space<hbm>> -> memref<1x50x128xf32, #tpu.memory_space<hbm>>
      %dma_wait3A_117 = tpu.memref_squeeze %dma_wait3A_116 : memref<1x50x128xf32, #tpu.memory_space<hbm>> -> memref<50x128xf32, #tpu.memory_space<hbm>>
      %dma_wait3A_118 = arith.constant 0 : i32
      %dma_wait3A_119 = arith.constant 0 : i32
      %dma_wait3A_120 = tpu.memref_slice %arg7[%dma_wait3A_118, %dma_wait3A_119] : memref<400x128xf32, #tpu.memory_space<vmem>> -> memref<50x128xf32, #tpu.memory_space<vmem>>
      tpu.wait_dma2 semaphore(%run_scoped3A : memref<!tpu.dma_semaphore, #tpu.memory_space<semaphore_mem>>) src(%dma_wait3A_120 : memref<50x128xf32, #tpu.memory_space<vmem>>) dst(%dma_wait3A_117 : memref<50x128xf32, #tpu.memory_space<hbm>>)
      tpu.yield
    }) : () -> ()
    %add3A_65 = arith.constant 120 : i32
    %add3A_66 = arith.addi %mul3A_4, %add3A_65 : i32
    %add3A_67 = arith.constant 1 : i32
    %add3A_68 = arith.addi %add3A_66, %add3A_67 : i32
    "tpu.region"() ({
      %run_scoped3A = tpu.sem_alloc : memref<!tpu.dma_semaphore, #tpu.memory_space<semaphore_mem>>
      %dma_start3A_93 = arith.constant 50 : i32
      %dma_start3A_94 = arith.constant 0 : i32
      %dma_start3A_95 = tpu.memref_slice %arg7[%dma_start3A_93, %dma_start3A_94] : memref<400x128xf32, #tpu.memory_space<vmem>> -> memref<50x128xf32, #tpu.memory_space<vmem>>
      %dma_start3A_96 = arith.constant 0 : i32
      %dma_start3A_97 = arith.constant 0 : i32
      %dma_start3A_98 = tpu.memref_slice %arg4[%add3A_68, %dma_start3A_96, %dma_start3A_97] : memref<4096x50x128xf32, #tpu.memory_space<hbm>> -> memref<1x50x128xf32, #tpu.memory_space<hbm>>
      %dma_start3A_99 = tpu.memref_squeeze %dma_start3A_98 : memref<1x50x128xf32, #tpu.memory_space<hbm>> -> memref<50x128xf32, #tpu.memory_space<hbm>>
      %dma_start3A_100 = arith.constant 0 : i32
      %dma_start3A_101 = arith.constant 0 : i32
      %dma_start3A_102 = tpu.memref_slice %arg4[%add3A_68, %dma_start3A_100, %dma_start3A_101] : memref<4096x50x128xf32, #tpu.memory_space<hbm>> -> memref<1x50x128xf32, #tpu.memory_space<hbm>>
      %dma_start3A_103 = tpu.memref_squeeze %dma_start3A_102 : memref<1x50x128xf32, #tpu.memory_space<hbm>> -> memref<50x128xf32, #tpu.memory_space<hbm>>
      %dma_start3A_104 = arith.constant 50 : i32
      %dma_start3A_105 = arith.constant 0 : i32
      %dma_start3A_106 = tpu.memref_slice %arg7[%dma_start3A_104, %dma_start3A_105] : memref<400x128xf32, #tpu.memory_space<vmem>> -> memref<50x128xf32, #tpu.memory_space<vmem>>
      tpu.enqueue_dma source(%dma_start3A_106 : memref<50x128xf32, #tpu.memory_space<vmem>>) target(%dma_start3A_103 : memref<50x128xf32, #tpu.memory_space<hbm>>) target_semaphore(%run_scoped3A : memref<!tpu.dma_semaphore, #tpu.memory_space<semaphore_mem>>)
      %dma_wait3A_107 = arith.constant 50 : i32
      %dma_wait3A_108 = arith.constant 0 : i32
      %dma_wait3A_109 = tpu.memref_slice %arg7[%dma_wait3A_107, %dma_wait3A_108] : memref<400x128xf32, #tpu.memory_space<vmem>> -> memref<50x128xf32, #tpu.memory_space<vmem>>
      %dma_wait3A_110 = arith.constant 0 : i32
      %dma_wait3A_111 = arith.constant 0 : i32
      %dma_wait3A_112 = tpu.memref_slice %arg4[%add3A_68, %dma_wait3A_110, %dma_wait3A_111] : memref<4096x50x128xf32, #tpu.memory_space<hbm>> -> memref<1x50x128xf32, #tpu.memory_space<hbm>>
      %dma_wait3A_113 = tpu.memref_squeeze %dma_wait3A_112 : memref<1x50x128xf32, #tpu.memory_space<hbm>> -> memref<50x128xf32, #tpu.memory_space<hbm>>
      %dma_wait3A_114 = arith.constant 0 : i32
      %dma_wait3A_115 = arith.constant 0 : i32
      %dma_wait3A_116 = tpu.memref_slice %arg4[%add3A_68, %dma_wait3A_114, %dma_wait3A_115] : memref<4096x50x128xf32, #tpu.memory_space<hbm>> -> memref<1x50x128xf32, #tpu.memory_space<hbm>>
      %dma_wait3A_117 = tpu.memref_squeeze %dma_wait3A_116 : memref<1x50x128xf32, #tpu.memory_space<hbm>> -> memref<50x128xf32, #tpu.memory_space<hbm>>
      %dma_wait3A_118 = arith.constant 50 : i32
      %dma_wait3A_119 = arith.constant 0 : i32
      %dma_wait3A_120 = tpu.memref_slice %arg7[%dma_wait3A_118, %dma_wait3A_119] : memref<400x128xf32, #tpu.memory_space<vmem>> -> memref<50x128xf32, #tpu.memory_space<vmem>>
      tpu.wait_dma2 semaphore(%run_scoped3A : memref<!tpu.dma_semaphore, #tpu.memory_space<semaphore_mem>>) src(%dma_wait3A_120 : memref<50x128xf32, #tpu.memory_space<vmem>>) dst(%dma_wait3A_117 : memref<50x128xf32, #tpu.memory_space<hbm>>)
      tpu.yield
    }) : () -> ()
    %add3A_69 = arith.constant 120 : i32
    %add3A_70 = arith.addi %mul3A_4, %add3A_69 : i32
    %add3A_71 = arith.constant 2 : i32
    %add3A_72 = arith.addi %add3A_70, %add3A_71 : i32
    "tpu.region"() ({
      %run_scoped3A = tpu.sem_alloc : memref<!tpu.dma_semaphore, #tpu.memory_space<semaphore_mem>>
      %dma_start3A_93 = arith.constant 100 : i32
      %dma_start3A_94 = arith.constant 0 : i32
      %dma_start3A_95 = tpu.memref_slice %arg7[%dma_start3A_93, %dma_start3A_94] : memref<400x128xf32, #tpu.memory_space<vmem>> -> memref<50x128xf32, #tpu.memory_space<vmem>>
      %dma_start3A_96 = arith.constant 0 : i32
      %dma_start3A_97 = arith.constant 0 : i32
      %dma_start3A_98 = tpu.memref_slice %arg4[%add3A_72, %dma_start3A_96, %dma_start3A_97] : memref<4096x50x128xf32, #tpu.memory_space<hbm>> -> memref<1x50x128xf32, #tpu.memory_space<hbm>>
      %dma_start3A_99 = tpu.memref_squeeze %dma_start3A_98 : memref<1x50x128xf32, #tpu.memory_space<hbm>> -> memref<50x128xf32, #tpu.memory_space<hbm>>
      %dma_start3A_100 = arith.constant 0 : i32
      %dma_start3A_101 = arith.constant 0 : i32
      %dma_start3A_102 = tpu.memref_slice %arg4[%add3A_72, %dma_start3A_100, %dma_start3A_101] : memref<4096x50x128xf32, #tpu.memory_space<hbm>> -> memref<1x50x128xf32, #tpu.memory_space<hbm>>
      %dma_start3A_103 = tpu.memref_squeeze %dma_start3A_102 : memref<1x50x128xf32, #tpu.memory_space<hbm>> -> memref<50x128xf32, #tpu.memory_space<hbm>>
      %dma_start3A_104 = arith.constant 100 : i32
      %dma_start3A_105 = arith.constant 0 : i32
      %dma_start3A_106 = tpu.memref_slice %arg7[%dma_start3A_104, %dma_start3A_105] : memref<400x128xf32, #tpu.memory_space<vmem>> -> memref<50x128xf32, #tpu.memory_space<vmem>>
      tpu.enqueue_dma source(%dma_start3A_106 : memref<50x128xf32, #tpu.memory_space<vmem>>) target(%dma_start3A_103 : memref<50x128xf32, #tpu.memory_space<hbm>>) target_semaphore(%run_scoped3A : memref<!tpu.dma_semaphore, #tpu.memory_space<semaphore_mem>>)
      %dma_wait3A_107 = arith.constant 100 : i32
      %dma_wait3A_108 = arith.constant 0 : i32
      %dma_wait3A_109 = tpu.memref_slice %arg7[%dma_wait3A_107, %dma_wait3A_108] : memref<400x128xf32, #tpu.memory_space<vmem>> -> memref<50x128xf32, #tpu.memory_space<vmem>>
      %dma_wait3A_110 = arith.constant 0 : i32
      %dma_wait3A_111 = arith.constant 0 : i32
      %dma_wait3A_112 = tpu.memref_slice %arg4[%add3A_72, %dma_wait3A_110, %dma_wait3A_111] : memref<4096x50x128xf32, #tpu.memory_space<hbm>> -> memref<1x50x128xf32, #tpu.memory_space<hbm>>
      %dma_wait3A_113 = tpu.memref_squeeze %dma_wait3A_112 : memref<1x50x128xf32, #tpu.memory_space<hbm>> -> memref<50x128xf32, #tpu.memory_space<hbm>>
      %dma_wait3A_114 = arith.constant 0 : i32
      %dma_wait3A_115 = arith.constant 0 : i32
      %dma_wait3A_116 = tpu.memref_slice %arg4[%add3A_72, %dma_wait3A_114, %dma_wait3A_115] : memref<4096x50x128xf32, #tpu.memory_space<hbm>> -> memref<1x50x128xf32, #tpu.memory_space<hbm>>
      %dma_wait3A_117 = tpu.memref_squeeze %dma_wait3A_116 : memref<1x50x128xf32, #tpu.memory_space<hbm>> -> memref<50x128xf32, #tpu.memory_space<hbm>>
      %dma_wait3A_118 = arith.constant 100 : i32
      %dma_wait3A_119 = arith.constant 0 : i32
      %dma_wait3A_120 = tpu.memref_slice %arg7[%dma_wait3A_118, %dma_wait3A_119] : memref<400x128xf32, #tpu.memory_space<vmem>> -> memref<50x128xf32, #tpu.memory_space<vmem>>
      tpu.wait_dma2 semaphore(%run_scoped3A : memref<!tpu.dma_semaphore, #tpu.memory_space<semaphore_mem>>) src(%dma_wait3A_120 : memref<50x128xf32, #tpu.memory_space<vmem>>) dst(%dma_wait3A_117 : memref<50x128xf32, #tpu.memory_space<hbm>>)
      tpu.yield
    }) : () -> ()
    %add3A_73 = arith.constant 120 : i32
    %add3A_74 = arith.addi %mul3A_4, %add3A_73 : i32
    %add3A_75 = arith.constant 3 : i32
    %add3A_76 = arith.addi %add3A_74, %add3A_75 : i32
    "tpu.region"() ({
      %run_scoped3A = tpu.sem_alloc : memref<!tpu.dma_semaphore, #tpu.memory_space<semaphore_mem>>
      %dma_start3A_93 = arith.constant 150 : i32
      %dma_start3A_94 = arith.constant 0 : i32
      %dma_start3A_95 = tpu.memref_slice %arg7[%dma_start3A_93, %dma_start3A_94] : memref<400x128xf32, #tpu.memory_space<vmem>> -> memref<50x128xf32, #tpu.memory_space<vmem>>
      %dma_start3A_96 = arith.constant 0 : i32
      %dma_start3A_97 = arith.constant 0 : i32
      %dma_start3A_98 = tpu.memref_slice %arg4[%add3A_76, %dma_start3A_96, %dma_start3A_97] : memref<4096x50x128xf32, #tpu.memory_space<hbm>> -> memref<1x50x128xf32, #tpu.memory_space<hbm>>
      %dma_start3A_99 = tpu.memref_squeeze %dma_start3A_98 : memref<1x50x128xf32, #tpu.memory_space<hbm>> -> memref<50x128xf32, #tpu.memory_space<hbm>>
      %dma_start3A_100 = arith.constant 0 : i32
      %dma_start3A_101 = arith.constant 0 : i32
      %dma_start3A_102 = tpu.memref_slice %arg4[%add3A_76, %dma_start3A_100, %dma_start3A_101] : memref<4096x50x128xf32, #tpu.memory_space<hbm>> -> memref<1x50x128xf32, #tpu.memory_space<hbm>>
      %dma_start3A_103 = tpu.memref_squeeze %dma_start3A_102 : memref<1x50x128xf32, #tpu.memory_space<hbm>> -> memref<50x128xf32, #tpu.memory_space<hbm>>
      %dma_start3A_104 = arith.constant 150 : i32
      %dma_start3A_105 = arith.constant 0 : i32
      %dma_start3A_106 = tpu.memref_slice %arg7[%dma_start3A_104, %dma_start3A_105] : memref<400x128xf32, #tpu.memory_space<vmem>> -> memref<50x128xf32, #tpu.memory_space<vmem>>
      tpu.enqueue_dma source(%dma_start3A_106 : memref<50x128xf32, #tpu.memory_space<vmem>>) target(%dma_start3A_103 : memref<50x128xf32, #tpu.memory_space<hbm>>) target_semaphore(%run_scoped3A : memref<!tpu.dma_semaphore, #tpu.memory_space<semaphore_mem>>)
      %dma_wait3A_107 = arith.constant 150 : i32
      %dma_wait3A_108 = arith.constant 0 : i32
      %dma_wait3A_109 = tpu.memref_slice %arg7[%dma_wait3A_107, %dma_wait3A_108] : memref<400x128xf32, #tpu.memory_space<vmem>> -> memref<50x128xf32, #tpu.memory_space<vmem>>
      %dma_wait3A_110 = arith.constant 0 : i32
      %dma_wait3A_111 = arith.constant 0 : i32
      %dma_wait3A_112 = tpu.memref_slice %arg4[%add3A_76, %dma_wait3A_110, %dma_wait3A_111] : memref<4096x50x128xf32, #tpu.memory_space<hbm>> -> memref<1x50x128xf32, #tpu.memory_space<hbm>>
      %dma_wait3A_113 = tpu.memref_squeeze %dma_wait3A_112 : memref<1x50x128xf32, #tpu.memory_space<hbm>> -> memref<50x128xf32, #tpu.memory_space<hbm>>
      %dma_wait3A_114 = arith.constant 0 : i32
      %dma_wait3A_115 = arith.constant 0 : i32
      %dma_wait3A_116 = tpu.memref_slice %arg4[%add3A_76, %dma_wait3A_114, %dma_wait3A_115] : memref<4096x50x128xf32, #tpu.memory_space<hbm>> -> memref<1x50x128xf32, #tpu.memory_space<hbm>>
      %dma_wait3A_117 = tpu.memref_squeeze %dma_wait3A_116 : memref<1x50x128xf32, #tpu.memory_space<hbm>> -> memref<50x128xf32, #tpu.memory_space<hbm>>
      %dma_wait3A_118 = arith.constant 150 : i32
      %dma_wait3A_119 = arith.constant 0 : i32
      %dma_wait3A_120 = tpu.memref_slice %arg7[%dma_wait3A_118, %dma_wait3A_119] : memref<400x128xf32, #tpu.memory_space<vmem>> -> memref<50x128xf32, #tpu.memory_space<vmem>>
      tpu.wait_dma2 semaphore(%run_scoped3A : memref<!tpu.dma_semaphore, #tpu.memory_space<semaphore_mem>>) src(%dma_wait3A_120 : memref<50x128xf32, #tpu.memory_space<vmem>>) dst(%dma_wait3A_117 : memref<50x128xf32, #tpu.memory_space<hbm>>)
      tpu.yield
    }) : () -> ()
    %add3A_77 = arith.constant 120 : i32
    %add3A_78 = arith.addi %mul3A_4, %add3A_77 : i32
    %add3A_79 = arith.constant 4 : i32
    %add3A_80 = arith.addi %add3A_78, %add3A_79 : i32
    "tpu.region"() ({
      %run_scoped3A = tpu.sem_alloc : memref<!tpu.dma_semaphore, #tpu.memory_space<semaphore_mem>>
      %dma_start3A_93 = arith.constant 200 : i32
      %dma_start3A_94 = arith.constant 0 : i32
      %dma_start3A_95 = tpu.memref_slice %arg7[%dma_start3A_93, %dma_start3A_94] : memref<400x128xf32, #tpu.memory_space<vmem>> -> memref<50x128xf32, #tpu.memory_space<vmem>>
      %dma_start3A_96 = arith.constant 0 : i32
      %dma_start3A_97 = arith.constant 0 : i32
      %dma_start3A_98 = tpu.memref_slice %arg4[%add3A_80, %dma_start3A_96, %dma_start3A_97] : memref<4096x50x128xf32, #tpu.memory_space<hbm>> -> memref<1x50x128xf32, #tpu.memory_space<hbm>>
      %dma_start3A_99 = tpu.memref_squeeze %dma_start3A_98 : memref<1x50x128xf32, #tpu.memory_space<hbm>> -> memref<50x128xf32, #tpu.memory_space<hbm>>
      %dma_start3A_100 = arith.constant 0 : i32
      %dma_start3A_101 = arith.constant 0 : i32
      %dma_start3A_102 = tpu.memref_slice %arg4[%add3A_80, %dma_start3A_100, %dma_start3A_101] : memref<4096x50x128xf32, #tpu.memory_space<hbm>> -> memref<1x50x128xf32, #tpu.memory_space<hbm>>
      %dma_start3A_103 = tpu.memref_squeeze %dma_start3A_102 : memref<1x50x128xf32, #tpu.memory_space<hbm>> -> memref<50x128xf32, #tpu.memory_space<hbm>>
      %dma_start3A_104 = arith.constant 200 : i32
      %dma_start3A_105 = arith.constant 0 : i32
      %dma_start3A_106 = tpu.memref_slice %arg7[%dma_start3A_104, %dma_start3A_105] : memref<400x128xf32, #tpu.memory_space<vmem>> -> memref<50x128xf32, #tpu.memory_space<vmem>>
      tpu.enqueue_dma source(%dma_start3A_106 : memref<50x128xf32, #tpu.memory_space<vmem>>) target(%dma_start3A_103 : memref<50x128xf32, #tpu.memory_space<hbm>>) target_semaphore(%run_scoped3A : memref<!tpu.dma_semaphore, #tpu.memory_space<semaphore_mem>>)
      %dma_wait3A_107 = arith.constant 200 : i32
      %dma_wait3A_108 = arith.constant 0 : i32
      %dma_wait3A_109 = tpu.memref_slice %arg7[%dma_wait3A_107, %dma_wait3A_108] : memref<400x128xf32, #tpu.memory_space<vmem>> -> memref<50x128xf32, #tpu.memory_space<vmem>>
      %dma_wait3A_110 = arith.constant 0 : i32
      %dma_wait3A_111 = arith.constant 0 : i32
      %dma_wait3A_112 = tpu.memref_slice %arg4[%add3A_80, %dma_wait3A_110, %dma_wait3A_111] : memref<4096x50x128xf32, #tpu.memory_space<hbm>> -> memref<1x50x128xf32, #tpu.memory_space<hbm>>
      %dma_wait3A_113 = tpu.memref_squeeze %dma_wait3A_112 : memref<1x50x128xf32, #tpu.memory_space<hbm>> -> memref<50x128xf32, #tpu.memory_space<hbm>>
      %dma_wait3A_114 = arith.constant 0 : i32
      %dma_wait3A_115 = arith.constant 0 : i32
      %dma_wait3A_116 = tpu.memref_slice %arg4[%add3A_80, %dma_wait3A_114, %dma_wait3A_115] : memref<4096x50x128xf32, #tpu.memory_space<hbm>> -> memref<1x50x128xf32, #tpu.memory_space<hbm>>
      %dma_wait3A_117 = tpu.memref_squeeze %dma_wait3A_116 : memref<1x50x128xf32, #tpu.memory_space<hbm>> -> memref<50x128xf32, #tpu.memory_space<hbm>>
      %dma_wait3A_118 = arith.constant 200 : i32
      %dma_wait3A_119 = arith.constant 0 : i32
      %dma_wait3A_120 = tpu.memref_slice %arg7[%dma_wait3A_118, %dma_wait3A_119] : memref<400x128xf32, #tpu.memory_space<vmem>> -> memref<50x128xf32, #tpu.memory_space<vmem>>
      tpu.wait_dma2 semaphore(%run_scoped3A : memref<!tpu.dma_semaphore, #tpu.memory_space<semaphore_mem>>) src(%dma_wait3A_120 : memref<50x128xf32, #tpu.memory_space<vmem>>) dst(%dma_wait3A_117 : memref<50x128xf32, #tpu.memory_space<hbm>>)
      tpu.yield
    }) : () -> ()
    %add3A_81 = arith.constant 120 : i32
    %add3A_82 = arith.addi %mul3A_4, %add3A_81 : i32
    %add3A_83 = arith.constant 5 : i32
    %add3A_84 = arith.addi %add3A_82, %add3A_83 : i32
    "tpu.region"() ({
      %run_scoped3A = tpu.sem_alloc : memref<!tpu.dma_semaphore, #tpu.memory_space<semaphore_mem>>
      %dma_start3A_93 = arith.constant 250 : i32
      %dma_start3A_94 = arith.constant 0 : i32
      %dma_start3A_95 = tpu.memref_slice %arg7[%dma_start3A_93, %dma_start3A_94] : memref<400x128xf32, #tpu.memory_space<vmem>> -> memref<50x128xf32, #tpu.memory_space<vmem>>
      %dma_start3A_96 = arith.constant 0 : i32
      %dma_start3A_97 = arith.constant 0 : i32
      %dma_start3A_98 = tpu.memref_slice %arg4[%add3A_84, %dma_start3A_96, %dma_start3A_97] : memref<4096x50x128xf32, #tpu.memory_space<hbm>> -> memref<1x50x128xf32, #tpu.memory_space<hbm>>
      %dma_start3A_99 = tpu.memref_squeeze %dma_start3A_98 : memref<1x50x128xf32, #tpu.memory_space<hbm>> -> memref<50x128xf32, #tpu.memory_space<hbm>>
      %dma_start3A_100 = arith.constant 0 : i32
      %dma_start3A_101 = arith.constant 0 : i32
      %dma_start3A_102 = tpu.memref_slice %arg4[%add3A_84, %dma_start3A_100, %dma_start3A_101] : memref<4096x50x128xf32, #tpu.memory_space<hbm>> -> memref<1x50x128xf32, #tpu.memory_space<hbm>>
      %dma_start3A_103 = tpu.memref_squeeze %dma_start3A_102 : memref<1x50x128xf32, #tpu.memory_space<hbm>> -> memref<50x128xf32, #tpu.memory_space<hbm>>
      %dma_start3A_104 = arith.constant 250 : i32
      %dma_start3A_105 = arith.constant 0 : i32
      %dma_start3A_106 = tpu.memref_slice %arg7[%dma_start3A_104, %dma_start3A_105] : memref<400x128xf32, #tpu.memory_space<vmem>> -> memref<50x128xf32, #tpu.memory_space<vmem>>
      tpu.enqueue_dma source(%dma_start3A_106 : memref<50x128xf32, #tpu.memory_space<vmem>>) target(%dma_start3A_103 : memref<50x128xf32, #tpu.memory_space<hbm>>) target_semaphore(%run_scoped3A : memref<!tpu.dma_semaphore, #tpu.memory_space<semaphore_mem>>)
      %dma_wait3A_107 = arith.constant 250 : i32
      %dma_wait3A_108 = arith.constant 0 : i32
      %dma_wait3A_109 = tpu.memref_slice %arg7[%dma_wait3A_107, %dma_wait3A_108] : memref<400x128xf32, #tpu.memory_space<vmem>> -> memref<50x128xf32, #tpu.memory_space<vmem>>
      %dma_wait3A_110 = arith.constant 0 : i32
      %dma_wait3A_111 = arith.constant 0 : i32
      %dma_wait3A_112 = tpu.memref_slice %arg4[%add3A_84, %dma_wait3A_110, %dma_wait3A_111] : memref<4096x50x128xf32, #tpu.memory_space<hbm>> -> memref<1x50x128xf32, #tpu.memory_space<hbm>>
      %dma_wait3A_113 = tpu.memref_squeeze %dma_wait3A_112 : memref<1x50x128xf32, #tpu.memory_space<hbm>> -> memref<50x128xf32, #tpu.memory_space<hbm>>
      %dma_wait3A_114 = arith.constant 0 : i32
      %dma_wait3A_115 = arith.constant 0 : i32
      %dma_wait3A_116 = tpu.memref_slice %arg4[%add3A_84, %dma_wait3A_114, %dma_wait3A_115] : memref<4096x50x128xf32, #tpu.memory_space<hbm>> -> memref<1x50x128xf32, #tpu.memory_space<hbm>>
      %dma_wait3A_117 = tpu.memref_squeeze %dma_wait3A_116 : memref<1x50x128xf32, #tpu.memory_space<hbm>> -> memref<50x128xf32, #tpu.memory_space<hbm>>
      %dma_wait3A_118 = arith.constant 250 : i32
      %dma_wait3A_119 = arith.constant 0 : i32
      %dma_wait3A_120 = tpu.memref_slice %arg7[%dma_wait3A_118, %dma_wait3A_119] : memref<400x128xf32, #tpu.memory_space<vmem>> -> memref<50x128xf32, #tpu.memory_space<vmem>>
      tpu.wait_dma2 semaphore(%run_scoped3A : memref<!tpu.dma_semaphore, #tpu.memory_space<semaphore_mem>>) src(%dma_wait3A_120 : memref<50x128xf32, #tpu.memory_space<vmem>>) dst(%dma_wait3A_117 : memref<50x128xf32, #tpu.memory_space<hbm>>)
      tpu.yield
    }) : () -> ()
    %add3A_85 = arith.constant 120 : i32
    %add3A_86 = arith.addi %mul3A_4, %add3A_85 : i32
    %add3A_87 = arith.constant 6 : i32
    %add3A_88 = arith.addi %add3A_86, %add3A_87 : i32
    "tpu.region"() ({
      %run_scoped3A = tpu.sem_alloc : memref<!tpu.dma_semaphore, #tpu.memory_space<semaphore_mem>>
      %dma_start3A_93 = arith.constant 300 : i32
      %dma_start3A_94 = arith.constant 0 : i32
      %dma_start3A_95 = tpu.memref_slice %arg7[%dma_start3A_93, %dma_start3A_94] : memref<400x128xf32, #tpu.memory_space<vmem>> -> memref<50x128xf32, #tpu.memory_space<vmem>>
      %dma_start3A_96 = arith.constant 0 : i32
      %dma_start3A_97 = arith.constant 0 : i32
      %dma_start3A_98 = tpu.memref_slice %arg4[%add3A_88, %dma_start3A_96, %dma_start3A_97] : memref<4096x50x128xf32, #tpu.memory_space<hbm>> -> memref<1x50x128xf32, #tpu.memory_space<hbm>>
      %dma_start3A_99 = tpu.memref_squeeze %dma_start3A_98 : memref<1x50x128xf32, #tpu.memory_space<hbm>> -> memref<50x128xf32, #tpu.memory_space<hbm>>
      %dma_start3A_100 = arith.constant 0 : i32
      %dma_start3A_101 = arith.constant 0 : i32
      %dma_start3A_102 = tpu.memref_slice %arg4[%add3A_88, %dma_start3A_100, %dma_start3A_101] : memref<4096x50x128xf32, #tpu.memory_space<hbm>> -> memref<1x50x128xf32, #tpu.memory_space<hbm>>
      %dma_start3A_103 = tpu.memref_squeeze %dma_start3A_102 : memref<1x50x128xf32, #tpu.memory_space<hbm>> -> memref<50x128xf32, #tpu.memory_space<hbm>>
      %dma_start3A_104 = arith.constant 300 : i32
      %dma_start3A_105 = arith.constant 0 : i32
      %dma_start3A_106 = tpu.memref_slice %arg7[%dma_start3A_104, %dma_start3A_105] : memref<400x128xf32, #tpu.memory_space<vmem>> -> memref<50x128xf32, #tpu.memory_space<vmem>>
      tpu.enqueue_dma source(%dma_start3A_106 : memref<50x128xf32, #tpu.memory_space<vmem>>) target(%dma_start3A_103 : memref<50x128xf32, #tpu.memory_space<hbm>>) target_semaphore(%run_scoped3A : memref<!tpu.dma_semaphore, #tpu.memory_space<semaphore_mem>>)
      %dma_wait3A_107 = arith.constant 300 : i32
      %dma_wait3A_108 = arith.constant 0 : i32
      %dma_wait3A_109 = tpu.memref_slice %arg7[%dma_wait3A_107, %dma_wait3A_108] : memref<400x128xf32, #tpu.memory_space<vmem>> -> memref<50x128xf32, #tpu.memory_space<vmem>>
      %dma_wait3A_110 = arith.constant 0 : i32
      %dma_wait3A_111 = arith.constant 0 : i32
      %dma_wait3A_112 = tpu.memref_slice %arg4[%add3A_88, %dma_wait3A_110, %dma_wait3A_111] : memref<4096x50x128xf32, #tpu.memory_space<hbm>> -> memref<1x50x128xf32, #tpu.memory_space<hbm>>
      %dma_wait3A_113 = tpu.memref_squeeze %dma_wait3A_112 : memref<1x50x128xf32, #tpu.memory_space<hbm>> -> memref<50x128xf32, #tpu.memory_space<hbm>>
      %dma_wait3A_114 = arith.constant 0 : i32
      %dma_wait3A_115 = arith.constant 0 : i32
      %dma_wait3A_116 = tpu.memref_slice %arg4[%add3A_88, %dma_wait3A_114, %dma_wait3A_115] : memref<4096x50x128xf32, #tpu.memory_space<hbm>> -> memref<1x50x128xf32, #tpu.memory_space<hbm>>
      %dma_wait3A_117 = tpu.memref_squeeze %dma_wait3A_116 : memref<1x50x128xf32, #tpu.memory_space<hbm>> -> memref<50x128xf32, #tpu.memory_space<hbm>>
      %dma_wait3A_118 = arith.constant 300 : i32
      %dma_wait3A_119 = arith.constant 0 : i32
      %dma_wait3A_120 = tpu.memref_slice %arg7[%dma_wait3A_118, %dma_wait3A_119] : memref<400x128xf32, #tpu.memory_space<vmem>> -> memref<50x128xf32, #tpu.memory_space<vmem>>
      tpu.wait_dma2 semaphore(%run_scoped3A : memref<!tpu.dma_semaphore, #tpu.memory_space<semaphore_mem>>) src(%dma_wait3A_120 : memref<50x128xf32, #tpu.memory_space<vmem>>) dst(%dma_wait3A_117 : memref<50x128xf32, #tpu.memory_space<hbm>>)
      tpu.yield
    }) : () -> ()
    %add3A_89 = arith.constant 120 : i32
    %add3A_90 = arith.addi %mul3A_4, %add3A_89 : i32
    %add3A_91 = arith.constant 7 : i32
    %add3A_92 = arith.addi %add3A_90, %add3A_91 : i32
    "tpu.region"() ({
      %run_scoped3A = tpu.sem_alloc : memref<!tpu.dma_semaphore, #tpu.memory_space<semaphore_mem>>
      %dma_start3A_93 = arith.constant 350 : i32
      %dma_start3A_94 = arith.constant 0 : i32
      %dma_start3A_95 = tpu.memref_slice %arg7[%dma_start3A_93, %dma_start3A_94] : memref<400x128xf32, #tpu.memory_space<vmem>> -> memref<50x128xf32, #tpu.memory_space<vmem>>
      %dma_start3A_96 = arith.constant 0 : i32
      %dma_start3A_97 = arith.constant 0 : i32
      %dma_start3A_98 = tpu.memref_slice %arg4[%add3A_92, %dma_start3A_96, %dma_start3A_97] : memref<4096x50x128xf32, #tpu.memory_space<hbm>> -> memref<1x50x128xf32, #tpu.memory_space<hbm>>
      %dma_start3A_99 = tpu.memref_squeeze %dma_start3A_98 : memref<1x50x128xf32, #tpu.memory_space<hbm>> -> memref<50x128xf32, #tpu.memory_space<hbm>>
      %dma_start3A_100 = arith.constant 0 : i32
      %dma_start3A_101 = arith.constant 0 : i32
      %dma_start3A_102 = tpu.memref_slice %arg4[%add3A_92, %dma_start3A_100, %dma_start3A_101] : memref<4096x50x128xf32, #tpu.memory_space<hbm>> -> memref<1x50x128xf32, #tpu.memory_space<hbm>>
      %dma_start3A_103 = tpu.memref_squeeze %dma_start3A_102 : memref<1x50x128xf32, #tpu.memory_space<hbm>> -> memref<50x128xf32, #tpu.memory_space<hbm>>
      %dma_start3A_104 = arith.constant 350 : i32
      %dma_start3A_105 = arith.constant 0 : i32
      %dma_start3A_106 = tpu.memref_slice %arg7[%dma_start3A_104, %dma_start3A_105] : memref<400x128xf32, #tpu.memory_space<vmem>> -> memref<50x128xf32, #tpu.memory_space<vmem>>
      tpu.enqueue_dma source(%dma_start3A_106 : memref<50x128xf32, #tpu.memory_space<vmem>>) target(%dma_start3A_103 : memref<50x128xf32, #tpu.memory_space<hbm>>) target_semaphore(%run_scoped3A : memref<!tpu.dma_semaphore, #tpu.memory_space<semaphore_mem>>)
      %dma_wait3A_107 = arith.constant 350 : i32
      %dma_wait3A_108 = arith.constant 0 : i32
      %dma_wait3A_109 = tpu.memref_slice %arg7[%dma_wait3A_107, %dma_wait3A_108] : memref<400x128xf32, #tpu.memory_space<vmem>> -> memref<50x128xf32, #tpu.memory_space<vmem>>
      %dma_wait3A_110 = arith.constant 0 : i32
      %dma_wait3A_111 = arith.constant 0 : i32
      %dma_wait3A_112 = tpu.memref_slice %arg4[%add3A_92, %dma_wait3A_110, %dma_wait3A_111] : memref<4096x50x128xf32, #tpu.memory_space<hbm>> -> memref<1x50x128xf32, #tpu.memory_space<hbm>>
      %dma_wait3A_113 = tpu.memref_squeeze %dma_wait3A_112 : memref<1x50x128xf32, #tpu.memory_space<hbm>> -> memref<50x128xf32, #tpu.memory_space<hbm>>
      %dma_wait3A_114 = arith.constant 0 : i32
      %dma_wait3A_115 = arith.constant 0 : i32
      %dma_wait3A_116 = tpu.memref_slice %arg4[%add3A_92, %dma_wait3A_114, %dma_wait3A_115] : memref<4096x50x128xf32, #tpu.memory_space<hbm>> -> memref<1x50x128xf32, #tpu.memory_space<hbm>>
      %dma_wait3A_117 = tpu.memref_squeeze %dma_wait3A_116 : memref<1x50x128xf32, #tpu.memory_space<hbm>> -> memref<50x128xf32, #tpu.memory_space<hbm>>
      %dma_wait3A_118 = arith.constant 350 : i32
      %dma_wait3A_119 = arith.constant 0 : i32
      %dma_wait3A_120 = tpu.memref_slice %arg7[%dma_wait3A_118, %dma_wait3A_119] : memref<400x128xf32, #tpu.memory_space<vmem>> -> memref<50x128xf32, #tpu.memory_space<vmem>>
      tpu.wait_dma2 semaphore(%run_scoped3A : memref<!tpu.dma_semaphore, #tpu.memory_space<semaphore_mem>>) src(%dma_wait3A_120 : memref<50x128xf32, #tpu.memory_space<vmem>>) dst(%dma_wait3A_117 : memref<50x128xf32, #tpu.memory_space<hbm>>)
      tpu.yield
    }) : () -> ()
    return
  }
}

</mosaic_0001>

<sc_bundles>
// kernel: kernel.3.cloned.1.call-start
scs
__scs_entry_jumppad:
0x0: {  	(pc) =	sbr.rel $0x88, $3  }
0x1: {  	(tag) =	ssettag $0x0;
	lr =	simm.s32 $0x1  }
0x2: {  	[smem:$0x3F9D] =	sst lr;
	_ =	strace $0xD0000000  }
0x3: {  	_ = 	snop  }
0x4: {  	_ = 	snop  }
0x5: {  	_ = 	snop  }
0x6: {  	_ = 	snop  }
0x7: {  	_ = 	snop  }
__scs_overlays_trampoline_lowered:
0x8: {  	[smem:$0x3FAC] =	sst s0  }
0x9: {  	[smem:$0x3FAD] =	sst s1  }
0xa: {  	[smem:$0x3FAE] =	sst s2  }
0xb: {  	[smem:$0x3FAF] =	sst s3  }
0xc: {  	[smem:$0x3FB0] =	sst s4  }
0xd: {  	[smem:$0x3FB1] =	sst s5  }
0xe: {  	[smem:$0x3FB2] =	sst s6  }
0xf: {  	[smem:$0x3FB3] =	sst s7  }
0x10: {  	[smem:$0x3FB4] =	sst s8  }
0x11: {  	[smem:$0x3FB5] =	sst s9;
	s0 =	simm.s32 @!p0 $0x0  }
0x12: {  	s1 =	sld [smem:$0x3F9B];
	s0 =	simm.s32 @p0 $0x1  }
0x13: {  	[smem:$0x3FB6] =	sst s0;
	s0 =	simm.s32 @!p1 $0x0  }
0x14: {  	s2 =	sld [smem:$0x3F9A];
	s0 =	simm.s32 @p1 $0x1  }
0x15: {  	[smem:$0x3FB7] =	sst s0;
	s0 =	simm.s32 @!p2 $0x0  }
0x16: {  	s3 =	sld [smem:$0x3FDB];
	s0 =	simm.s32 @p2 $0x1  }
0x17: {  	s4 =	simm.s32 $0x1BF5;
	[smem:$0x3FB9] =	sst s0  }
0x18: {  	s0 =	sld [smem:$0x3F9C];
	_ =	swait.ge [sflag:s4], $0x0  }
0x19: {  	s7 =	sld [smem:$0x3F9D]  }
0x1a: {  	s8 =	sadd.s32 $0xFFFFE003, lr  }
0x1b: {  	s9 =	sadd.s32 $0xFFFFFEF7, lr;
	s5 =	simm.s32 $0xFFFFFFFF;
	p2 =	slt.u32 s8, $0xFFFFF086  }
0x1c: {  	p1 =	slt.u32 s9, $0xF7A;
	s5 =	simm.s32 @!p2 $0x0  }
0x1d: {  	s5 =	simm.s32 @p1 $0x1;
	p0 =	seq.s32 s7, s2  }
0x1e: {  	s7 =	smul.u32 @!p0 $0xF7A, s2;
	p2 =	seq.s32 @!p0 s5, $0x0  }
0x1f: {  	s9 =	smul.u32 $0xF7A, s1;
	s8 =	simm.s32 @!p0 $0x1BF5;
	p2 =	por !p2, p0  }
0x20: {  	[sflag:s8] =	ssyncset.s32 @!p0 $0xFFFFF086;
	s6 =	sadd.s32 @!p0 s3, s7;
	s7 =	simm.s32 @!p0 $0x108  }
0x21: {  	s3 =	sadd.s32 s3, s9;
	s6 =	sadd.s32 @!p0 $0x88, s6;
	s7 =	simm.s32 @p2 $0x1082  }
0x22: {  	[simem:s7], [sflag:s8] =	dma.local @!p0 [hbm:s6], $0xF7A  }
0x23: {  	s9 =	sor.u32 $0xD0000000, s2;
	s6 =	simm.s32 $0x108;
	_ =	swait.ge @!p0 [sflag:s8], $0x0  }
0x24: {  	s3 =	sadd.s32 $0x88, s3;
	s6 =	simm.s32 @!p1 $0x1082;
	[sflag:s4] =	ssyncset.s32 $0xFFFFF086  }
0x25: {  	[simem:s6], [sflag:s4] =	dma.local [hbm:s3], $0xF7A  }
0x26: {  	[smem:$0x3F9D] =	sst s1;
	(tag) =	ssettag s2;
	_ =	strace s9  }
0x27: {  	s1 =	sld [smem:$0x3FAD]  }
0x28: {  	s2 =	sld [smem:$0x3FAE]  }
0x29: {  	s4 =	sld [smem:$0x3FB0]  }
0x2a: {  	p0 =	seq.s32 s5, $0x0;
	s5 =	sld [smem:$0x3FB1]  }
0x2b: {  	s6 =	sld [smem:$0x3FB2]  }
0x2c: {  	s7 =	sld [smem:$0x3FB3]  }
0x2d: {  	s3 =	simm.s32 $0x108;
	s8 =	sld [smem:$0x3FB4]  }
0x2e: {  	s3 =	simm.s32 @!p0 $0x1082;
	s9 =	sld [smem:$0x3FB5]  }
0x2f: {  	lr =	sadd.s32 s0, s3;
	s0 =	sld [smem:$0x3FAC]  }
0x30: {  	s3 =	sld [smem:$0x3FAF]  }
0x31: {  	[smem:$0x3FB8] =	sst s10  }
0x32: {  	s10 =	sld [smem:$0x3FB6];
	_ =	sdelay $0x3  }
0x33: {  	p0 =	seq.s32 s10, $0x1;
	s10 =	sld [smem:$0x3FB8];
	_ =	sdelay $0x3  }
0x34: {  	[smem:$0x3FB8] =	sst s10  }
0x35: {  	s10 =	sld [smem:$0x3FB7];
	_ =	sdelay $0x3  }
0x36: {  	p1 =	seq.s32 s10, $0x1;
	s10 =	sld [smem:$0x3FB8];
	_ =	sdelay $0x3  }
0x37: {  	[smem:$0x3FB8] =	sst s10  }
0x38: {  	s10 =	sld [smem:$0x3FB9]  }
0x39: {  	_ = 	snop;
	(pc) =	sbr.ind lr, $3  }
0x3a: {  	_ = 	snop  }
0x3b: {  	_ = 	snop  }
0x3c: {  	p2 =	seq.s32 s10, $0x1;
	s10 =	sld [smem:$0x3FB8]  }
0x3d: {  	_ =	shalt  }
0x3e: {  	_ =	shalt  }
0x3f: {  	_ =	shalt  }
0x40: {  	_ =	shalt  }
0x41: {  	_ =	shalt  }
0x42: {  	_ =	shalt  }
0x43: {  	_ =	shalt  }
0x44: {  	_ =	shalt  }
0x45: {  	_ =	shalt  }
0x46: {  	_ =	shalt  }
0x47: {  	_ =	shalt  }
0x48: {  	_ =	shalt  }
0x49: {  	_ =	shalt  }
0x4a: {  	_ =	shalt  }
0x4b: {  	_ =	shalt  }
0x4c: {  	_ =	shalt  }
0x4d: {  	_ =	shalt  }
0x4e: {  	_ =	shalt  }
0x4f: {  	_ =	shalt  }
0x50: {  	_ =	shalt  }
0x51: {  	_ =	shalt  }
0x52: {  	_ =	shalt  }
0x53: {  	_ =	shalt  }
0x54: {  	_ =	shalt  }
0x55: {  	_ =	shalt  }
0x56: {  	_ =	shalt  }
0x57: {  	_ =	shalt  }
0x58: {  	_ =	shalt  }
0x59: {  	_ =	shalt  }
0x5a: {  	_ =	shalt  }
0x5b: {  	_ =	shalt  }
0x5c: {  	_ =	shalt  }
0x5d: {  	_ =	shalt  }
0x5e: {  	_ =	shalt  }
0x5f: {  	_ =	shalt  }
0x60: {  	_ =	shalt  }
0x61: {  	_ =	shalt  }
0x62: {  	_ =	shalt  }
0x63: {  	_ =	shalt  }
0x64: {  	_ =	shalt  }
0x65: {  	_ =	shalt  }
0x66: {  	_ =	shalt  }
0x67: {  	_ =	shalt  }
0x68: {  	_ =	shalt  }
0x69: {  	_ =	shalt  }
0x6a: {  	_ =	shalt  }
0x6b: {  	_ =	shalt  }
0x6c: {  	_ =	shalt  }
0x6d: {  	_ =	shalt  }
0x6e: {  	_ =	shalt  }
0x6f: {  	_ =	shalt  }
0x70: {  	_ =	shalt  }
0x71: {  	_ =	shalt  }
0x72: {  	_ =	shalt  }
0x73: {  	_ =	shalt  }
0x74: {  	_ =	shalt  }
0x75: {  	_ =	shalt  }
0x76: {  	_ =	shalt  }
0x77: {  	_ =	shalt  }
0x78: {  	_ =	shalt  }
0x79: {  	_ =	shalt  }
0x7a: {  	_ =	shalt  }
0x7b: {  	_ =	shalt  }
0x7c: {  	_ =	shalt  }
0x7d: {  	_ =	shalt  }
0x7e: {  	_ =	shalt  }
0x7f: {  	_ =	shalt  }
0x80: {  	_ =	shalt  }
0x81: {  	_ =	shalt  }
0x82: {  	_ =	shalt  }
0x83: {  	_ =	shalt  }
0x84: {  	_ =	shalt  }
0x85: {  	_ =	shalt  }
0x86: {  	_ =	shalt  }
0x87: {  	_ =	shalt  }
.Lfunc_end0:
.L_simem_size_0:
called_computation_lowered:
.L_overlay_start_0:
0x88: {  	s2 =	sld [smem:$0x3FD9]  }
0x89: {  	s3 =	sld [smem:$0x3FFE];
	_ =	sdelay $0x1  }
0x8a: {  	s1 =	srdreg.scid  }
0x8b: {  	s0 =	sand.u32 $0x1, s1  }
0x8c: {  	s14 =	sshll.u32 s0, $0xA;
	s2 =	sadd.s32 s3, s2  }
0x8d: {  	s2 =	sadd.s32 s2, s14  }
0x8e: {  	[smem:$0x3FC4] =	sst s2  }
0x8f: {  	_ = 	snop  }
0x90: {  	s2 =	sld [smem:$0x3FD0];
	_ =	sdelay $0x2  }
0x91: {  	s4 =	simm.s32 $0xA;
	s5 =	simm.s32 $0x10;
	s15 =	sld [smem:$0x3FC7]  }
0x92: {  	[smem:s5], [sflag:s4] =	dma.local [hbm:s2], $0x1  }
0x93: {  	_ =	swait.eq [sflag:s4], $0x1  }
0x94: {  	[sflag:s4] =	ssyncset.done $0x0  }
0x95: {  	[sflag:s4] =	ssyncadd.s32 $0xFFFFFFFF  }
0x96: {  	s16 =	sld [smem:$0x10];
	(tm) =	ssettm $0x1  }
0x97: {  	s17 =	sld [smem:$0x3FFB];
	_ =	sdelay $0x3  }
0x98: {  	_ =	strace s17  }
0x99: {  	s4 =	sld [smem:$0x3FFC];
	_ =	sdelay $0x3  }
0x9a: {  	_ =	strace s4  }
0x9b: {  	s4 =	sld [smem:$0x3FFD];
	_ =	sdelay $0x3  }
0x9c: {  	_ =	strace s4  }
0x9d: {  	_ =	strace $0x8FFFFFFF  }
0x9e: {  	s18 =	sld [smem:$0x3FDB];
	_ =	sdelay $0x1  }
0x9f: {  	s19 =	simm.s32 $_scs_section_size  }
0xa0: {  	s6 =	simm.s32 $_size__tile_overlayer_lowered;
	s7 =	simm.s32 $_tile_overlayer_lowered  }
0xa1: {  	s22 =	simm.s32 $0x1BFF;
	s21 =	sshll.u32 s7, $0x1;
	s4 =	sadd.s32 s19, s18  }
0xa2: {  	s8 =	simm.s32 $0x0;
	s20 =	sshll.u32 s6, $0x1;
	s6 =	sadd.s32 s21, s4  }
0xa3: {  	[timem:s8], [sflag:s22] =	dma.local [hbm:s6], s20  }
0xa4: {  	_ =	swait.ge [sflag:s22], s20  }
0xa5: {  	s5 =	ssub.s32 $0x0, s20;
	[sflag:s22] =	ssyncset.done $0x0  }
0xa6: {  	[sflag:s22] =	ssyncadd.s32 s5;
	_ =	sdelay $0x1  }
0xa7: {  	s23 =	simm.s32 $0x1B8B  }
0xa8: {  	_ =	swait.ge [sflag:s23], $0x1  }
0xa9: {  	[sflag:s23] =	ssyncset.done $0x0  }
0xaa: {  	s25 =	simm.s32 $0x1B8E;
	s24 =	sld [smem:$0x3FFE];
	[sflag:s23] =	ssyncadd.s32 $0xFFFFFFFF  }
0xab: {  	s26 =	simm.s32 $execute0_lowered;
	[smem:$0x3FD2] =	sst s25  }
0xac: {  	s6 =	sshll.u32 s26, $0x1;
	_ =	strace $0x80000046;
	[dreg:$0x1] =	wrdreg $0xFFFFFFFF  }
0xad: {  	s28 =	simm.s32 $_size_execute0_lowered;
	s4 =	sadd.s32 s4, s6;
	[dreg:$0x0] =	wrdreg $0x0  }
0xae: {  	s6 =	sshll.u32 s28, $0x1;
	[dreg:$0x2] =	wrdreg s4  }
0xaf: {  	[dreg:$0x3] =	wrdreg s6  }
0xb0: {  	[dreg:$0x4] =	wrdreg $0xC0  }
0xb1: {  	_ =	task [dreg:s8], $0x5FFFF  }
0xb2: {  	[dreg:$0x1] =	wrdreg $0xFFFFFFFF  }
0xb3: {  	[dreg:$0x0] =	wrdreg $0x60  }
0xb4: {  	[dreg:$0x2] =	wrdreg s16  }
0xb5: {  	[dreg:$0x3] =	wrdreg s15  }
0xb6: {  	[dreg:$0x4] =	wrdreg s24  }
0xb7: {  	[dreg:$0x5] =	wrdreg $0x9  }
0xb8: {  	_ =	task.clear_ibuf [dreg:s8], $0x6FFFF;
	_ =	strace $0x90000046  }
0xb9: {  	s29 =	simm.s32 $0x9;
	_ =	strace $0x80000048  }
0xba: {  	_ =	swait.ge [sflag:s29], $0x1  }
0xbb: {  	[sflag:s29] =	ssyncadd.s32 $0xFFFFFFFF  }
0xbc: {  	_ =	strace $0x90000048  }
0xbd: {  	_ =	sfence  }
0xbe: {  	s30 =	sld [smem:$0x0];
	_ =	sdelay $0x2  }
0xbf: {  	s31 =	sshll.u32 s1, $0xD;
	s1 =	sshrl.u32 s1, $0x2  }
0xc0: {  	s3 =	sand.u32 $0x4000, s31;
	s1 =	sadd.s32 s1, s30  }
0xc1: {  	s0 =	sor.u32 s3, s0;
	s1 =	sshll.u32 s1, $0x11  }
0xc2: {  	s0 =	sor.u32 s1, s0  }
0xc3: {  	s0 =	sadd.s32 $0x8F2B, s0  }
0xc4: {  	[sflag:s0] =	ssyncadd.remote.s32 $0x1  }
0xc5: {  	_ =	sfence.sel $0xFFFF  }
0xc6: {  	[dreg:$0x0] =	wrdreg $0xFFFFFFFF;
	(pc) =	sbr.abs _section_cstart, $3  }
0xc7: {  	[dreg:$0x1] =	wrdreg $0xFFFFFFFF  }
0xc8: {  	_ =	task.clear_ibuf [dreg:s8], $0x2FFFF;
	_ =	strace $0x9FFFFFFF  }
0xc9: {  	(tm) =	ssettm $0x7FFFFFFF  }
tec
execute0_lowered:
.L_overlay_start_1:
0x0: {  	(tag) =	ssettag $0x1  }
0x1: {  	s0 =	srdreg.scid;
	s10 =	stileid.u32  }
0x2: {  	s5 =	sand.u32 $0x1, s0;
	s20 =	sshll.u32 s10, $0x1  }
0x3: {  	s4 =	rddreg [dreg:$0x0];
	s0 =	sor.u32 s5, s20  }
0x4: {  	s2 =	rddreg [dreg:$0x1];
	s6 =	smul.u32 $0xE0000, s0  }
0x5: {  	s1 =	rddreg [dreg:$0x2];
	s3 =	simm.s32 $0x0;
	s8 =	smul.u32 $0x320, s0  }
0x6: {  	[smem:$0x7FF] =	sst s3  }
0x7: {  	s0 =	sadd.s32 $0xA00, s1;
	s6 =	sshrl.u32 s6, $0x3;
	s4 =	sadd.s32 s4, s8  }
0x8: {  	_ =	strace $0x80000047;
	[dreg:$0x10] =	wrdreg s4;
	s4 =	sadd.s32 s0, s6  }
0x9: {  	s6 =	sadd.s32 $0x18800, s4  }
0xa: {  	s22 =	sadd.s32 $0x18B80, s4;
	[dreg:$0x11] =	wrdreg s6  }
0xb: {  	s28 =	simm.s32 $0x3200;
	s24 =	sadd.s32 $0x18F00, s4;
	[dreg:$0x12] =	wrdreg s22  }
0xc: {  	s29 =	simm.s32 $0x4B00;
	s25 =	sadd.s32 $0x19280, s4;
	[dreg:$0x13] =	wrdreg s24  }
0xd: {  	s30 =	simm.s32 $0x6400;
	s9 =	sadd.s32 $0x19600, s4;
	[dreg:$0x14] =	wrdreg s25  }
0xe: {  	s31 =	simm.s32 $0x7D00;
	s11 =	sadd.s32 $0x19980, s4;
	[dreg:$0x15] =	wrdreg s9  }
0xf: {  	s23 =	smul.u32 $0x1C0000, s10;
	s12 =	sadd.s32 $0x19D00, s4;
	[dreg:$0x16] =	wrdreg s11  }
0x10: {  	s7 =	ssub.s32 $0x2, s5;
	s13 =	sadd.s32 $0x1A080, s4;
	[dreg:$0x17] =	wrdreg s12  }
0x11: {  	s26 =	smul.u32 $0xE0000, s5;
	s14 =	sadd.s32 $0x1A400, s4;
	[dreg:$0x18] =	wrdreg s13  }
0x12: {  	s5 =	smul.u32 $0x1C000, s5;
	s15 =	sadd.s32 $0x1A780, s4;
	[dreg:$0x19] =	wrdreg s14  }
0x13: {  	s21 =	sshrl.u32 s7, $0x1;
	s16 =	sadd.s32 $0x1AB00, s4;
	[dreg:$0x1a] =	wrdreg s15  }
0x14: {  	s1 =	ssub.s32 s7, s21;
	s18 =	sadd.s32 $0x1AE80, s4;
	[dreg:$0x1b] =	wrdreg s16  }
0x15: {  	s6 =	sadd.s32 s26, s23;
	[dreg:$0x1c] =	wrdreg s18;
	s9 =	sadd.s32 $0x1B200, s4  }
0x16: {  	s13 =	smul.u32 $0x38000, s10;
	s14 =	sadd.s32 $0x1B580, s4;
	s10 =	simm.s32 $0x15E00  }
0x17: {  	s17 =	sor.u32 $0x1A400, s6;
	s19 =	sor.u32 $0x18800, s6;
	[dreg:$0x1d] =	wrdreg s9  }
0x18: {  	s21 =	sor.u32 $0x16C00, s6;
	s23 =	sor.u32 $0x15000, s6;
	s24 =	sor.u32 $0x13400, s6  }
0x19: {  	s11 =	sor.u32 $0x11800, s6;
	[dreg:$0x1e] =	wrdreg s14;
	s16 =	sor.u32 $0xC400, s6  }
0x1a: {  	s18 =	sor.u32 $0xA800, s6;
	s7 =	sshrl.u32 s17, $0x3;
	s8 =	sshrl.u32 s19, $0x3  }
0x1b: {  	s22 =	sshrl.u32 s21, $0x3;
	s26 =	sshrl.u32 s24, $0x3;
	s12 =	sshrl.u32 s11, $0x3  }
0x1c: {  	s15 =	sadd.s32 s13, s0;
	s17 =	sshrl.u32 s16, $0x3;
	s24 =	sor.u32 $0x7000, s6  }
0x1d: {  	s11 =	simm.s32 $0x17700;
	s13 =	simm.s32 $0x0;
	s7 =	sadd.s32 s7, s0  }
0x1e: {  	s20 =	sadd.s32 s8, s0;
	s8 =	sshrl.u32 s23, $0x3;
	[dreg:$0x4] =	wrdreg s7  }
0x1f: {  	s9 =	sadd.s32 s26, s0;
	s5 =	sadd.s32 s5, s15;
	[dreg:$0x5] =	wrdreg s20  }
0x20: {  	s19 =	sadd.s32 s17, s0;
	s26 =	sadd.s32 $0x1B900, s4;
	[dreg:$0x8] =	wrdreg s9  }
0x21: {  	s7 =	sadd.s32 s22, s0;
	s25 =	sadd.s32 s8, s0;
	[dreg:$0xa] =	wrdreg s5  }
0x22: {  	s20 =	sshrl.u32 s18, $0x3;
	[dreg:$0xb] =	wrdreg s19;
	s22 =	sor.u32 $0x8C00, s6  }
0x23: {  	s6 =	sor.u32 $0x5400, s6;
	[dreg:$0x1f] =	wrdreg s26;
	s26 =	simm.s32 $0x1  }
0x24: {  	s8 =	simm.s32 $0x12C00;
	s9 =	simm.s32 $0x14500;
	[dreg:$0x6] =	wrdreg s7  }
0x25: {  	[dreg:$0x7] =	wrdreg s25;
	s7 =	sadd.s32 s12, s0;
	s21 =	sadd.s32 s20, s0  }
0x26: {  	s23 =	sshrl.u32 s22, $0x3;
	s6 =	sshrl.u32 s6, $0x3;
	s20 =	sadd.s32 $0x1BC80, s4  }
0x27: {  	s22 =	simm.s32 $0x3;
	s4 =	simm.s32 $0xC800;
	[dreg:$0x9] =	wrdreg s7  }
0x28: {  	s12 =	simm.s32 $0x19000;
	[dreg:$0xc] =	wrdreg s21;
	s5 =	sadd.s32 s23, s0  }
0x29: {  	s7 =	sshrl.u32 s24, $0x3;
	s21 =	smax.u32 s1, $0x1;
	s23 =	simm.s32 $0x190  }
0x2a: {  	s24 =	simm.s32 $0x1900;
	s1 =	simm.s32 $0x9600;
	[dreg:$0xd] =	wrdreg s5  }
0x2b: {  	s25 =	sadd.s32 s7, s0;
	s0 =	sadd.s32 s6, s0;
	s5 =	simm.s32 $0x2  }
0x2c: {  	s6 =	simm.s32 $0xFA00;
	s7 =	simm.s32 $0x11300;
	[dreg:$0xe] =	wrdreg s25  }
0x2d: {  	[dreg:$0xf] =	wrdreg s0;
	s25 =	simm.s32 $0xE100;
	s0 =	simm.s32 $0xAF00  }
.LBB2_1:
0x2e: {  	s14 =	rddreg [dreg:$0x10]  }
0x2f: {  	[tilespmem:s3], [sflag:$0x3] =	stream.linear.gather [hbm4b:s14+s3], $0x1900, $0x38;
	[tilespmem:$0x1A900] =	vst v63  }
0x30: {  	_ =	swait.ge [sflag:s22], $0x1900  }
0x31: {  	[sflag:s22] =	ssyncset.done $0x0  }
0x32: {  	[sflag:s22] =	ssyncadd.s32 $0xFFFFE700  }
0x33: {  	[tilespmem:s24], [sflag:$0x1] =	stream.indirect.gather [hbm4b:s2+s23], $0x80, s3, s23, $0xb8;
	[tilespmem:$0x1A900] =	vst v63  }
0x34: {  	_ = 	snop  }
0x35: {  	[tilespmem:s25], [sflag:$0x2] =	stream.indirect.gather [hbm4b:s2+s23], $0x80, s23, s23, $0xb8;
	[tilespmem:$0x1A900] =	vst v63  }
0x36: {  	_ =	swait.ge [sflag:s26], $0xC800  }
0x37: {  	s18 =	rddreg [dreg:$0xa];
	[sflag:s26] =	ssyncset.done $0x0  }
0x38: {  	[sflag:s26] =	ssyncadd.s32 $0xFFFF3800;
	s14 =	sadd.s32 $0x0, s18  }
0x39: {  	[hbm4b:s14+s3] =	stream.linear.scatter [tilespmem:s24], [sflag:$0x3], $0x1900, $0x38;
	[tilespmem:$0x1A900] =	vst v63  }
0x3a: {  	_ =	swait.ge [sflag:s22], $0x1900  }
0x3b: {  	[sflag:s22] =	ssyncset.done $0x0  }
0x3c: {  	s15 =	sadd.s32 $0x380, s14;
	[sflag:s22] =	ssyncadd.s32 $0xFFFFE700  }
0x3d: {  	[hbm4b:s15+s3] =	stream.linear.scatter [tilespmem:s28], [sflag:$0x3], $0x1900, $0x38;
	[tilespmem:$0x1A900] =	vst v63  }
0x3e: {  	_ =	swait.ge [sflag:s22], $0x1900  }
0x3f: {  	[sflag:s22] =	ssyncset.done $0x0  }
0x40: {  	s19 =	sadd.s32 $0x700, s14;
	[sflag:s22] =	ssyncadd.s32 $0xFFFFE700  }
0x41: {  	[hbm4b:s19+s3] =	stream.linear.scatter [tilespmem:s29], [sflag:$0x3], $0x1900, $0x38;
	[tilespmem:$0x1A900] =	vst v63  }
0x42: {  	_ =	swait.ge [sflag:s22], $0x1900  }
0x43: {  	s16 =	rddreg [dreg:$0xf];
	[sflag:s22] =	ssyncset.done $0x0  }
0x44: {  	[sflag:s22] =	ssyncadd.s32 $0xFFFFE700;
	s15 =	sadd.s32 $0x0, s16  }
0x45: {  	[hbm4b:s15+s3] =	stream.linear.scatter [tilespmem:s30], [sflag:$0x3], $0x1900, $0x38;
	[tilespmem:$0x1A900] =	vst v63  }
0x46: {  	_ =	swait.ge [sflag:s22], $0x1900  }
0x47: {  	s17 =	rddreg [dreg:$0xe];
	[sflag:s22] =	ssyncset.done $0x0  }
0x48: {  	[sflag:s22] =	ssyncadd.s32 $0xFFFFE700;
	s15 =	sadd.s32 $0x0, s17  }
0x49: {  	[hbm4b:s15+s3] =	stream.linear.scatter [tilespmem:s31], [sflag:$0x3], $0x1900, $0x38;
	[tilespmem:$0x1A900] =	vst v63  }
0x4a: {  	_ =	swait.ge [sflag:s22], $0x1900  }
0x4b: {  	s18 =	rddreg [dreg:$0xd];
	[sflag:s22] =	ssyncset.done $0x0  }
0x4c: {  	[sflag:s22] =	ssyncadd.s32 $0xFFFFE700;
	s15 =	sadd.s32 $0x0, s18  }
0x4d: {  	[hbm4b:s15+s3] =	stream.linear.scatter [tilespmem:s1], [sflag:$0x3], $0x1900, $0x38;
	[tilespmem:$0x1A900] =	vst v63  }
0x4e: {  	_ =	swait.ge [sflag:s22], $0x1900  }
0x4f: {  	s19 =	rddreg [dreg:$0xc];
	[sflag:s22] =	ssyncset.done $0x0  }
0x50: {  	[sflag:s22] =	ssyncadd.s32 $0xFFFFE700;
	s15 =	sadd.s32 $0x0, s19  }
0x51: {  	[hbm4b:s15+s3] =	stream.linear.scatter [tilespmem:s0], [sflag:$0x3], $0x1900, $0x38;
	[tilespmem:$0x1A900] =	vst v63  }
0x52: {  	_ =	swait.ge [sflag:s22], $0x1900  }
0x53: {  	s16 =	rddreg [dreg:$0xb];
	[sflag:s22] =	ssyncset.done $0x0  }
0x54: {  	[sflag:s22] =	ssyncadd.s32 $0xFFFFE700;
	s15 =	sadd.s32 $0x0, s16  }
0x55: {  	[hbm4b:s15+s3] =	stream.linear.scatter [tilespmem:s4], [sflag:$0x3], $0x1900, $0x38;
	[tilespmem:$0x1A900] =	vst v63  }
0x56: {  	_ =	swait.ge [sflag:s22], $0x1900  }
0x57: {  	[sflag:s22] =	ssyncset.done $0x0  }
0x58: {  	s17 =	simm.s32 $0x320;
	[sflag:s22] =	ssyncadd.s32 $0xFFFFE700  }
0x59: {  	[tilespmem:s24], [sflag:$0x1] =	stream.indirect.gather [hbm4b:s2+s23], $0x80, s17, s23, $0xb8;
	[tilespmem:$0x1A900] =	vst v63  }
0x5a: {  	_ =	swait.ge [sflag:s5], $0xC800  }
0x5b: {  	[sflag:s5] =	ssyncset.done $0x0  }
0x5c: {  	s18 =	sadd.s32 $0x1C00, s14;
	[sflag:s5] =	ssyncadd.s32 $0xFFFF3800  }
0x5d: {  	[hbm4b:s18+s3] =	stream.linear.scatter [tilespmem:s25], [sflag:$0x3], $0x1900, $0x38;
	[tilespmem:$0x1A900] =	vst v63  }
0x5e: {  	_ =	swait.ge [sflag:s22], $0x1900  }
0x5f: {  	[sflag:s22] =	ssyncset.done $0x0  }
0x60: {  	s14 =	sadd.s32 $0x1F80, s14;
	[sflag:s22] =	ssyncadd.s32 $0xFFFFE700  }
0x61: {  	[hbm4b:s14+s3] =	stream.linear.scatter [tilespmem:s6], [sflag:$0x3], $0x1900, $0x38;
	[tilespmem:$0x1A900] =	vst v63  }
0x62: {  	_ =	swait.ge [sflag:s22], $0x1900  }
0x63: {  	s19 =	rddreg [dreg:$0x9];
	[sflag:s22] =	ssyncset.done $0x0  }
0x64: {  	[sflag:s22] =	ssyncadd.s32 $0xFFFFE700;
	s14 =	sadd.s32 $0x0, s19  }
0x65: {  	[hbm4b:s14+s3] =	stream.linear.scatter [tilespmem:s7], [sflag:$0x3], $0x1900, $0x38;
	[tilespmem:$0x1A900] =	vst v63  }
0x66: {  	_ =	swait.ge [sflag:s22], $0x1900  }
0x67: {  	s15 =	rddreg [dreg:$0x8];
	[sflag:s22] =	ssyncset.done $0x0  }
0x68: {  	[sflag:s22] =	ssyncadd.s32 $0xFFFFE700;
	s14 =	sadd.s32 $0x0, s15  }
0x69: {  	[hbm4b:s14+s3] =	stream.linear.scatter [tilespmem:s8], [sflag:$0x3], $0x1900, $0x38;
	[tilespmem:$0x1A900] =	vst v63  }
0x6a: {  	_ =	swait.ge [sflag:s22], $0x1900  }
0x6b: {  	s16 =	rddreg [dreg:$0x7];
	[sflag:s22] =	ssyncset.done $0x0  }
0x6c: {  	[sflag:s22] =	ssyncadd.s32 $0xFFFFE700;
	s14 =	sadd.s32 $0x0, s16  }
0x6d: {  	[hbm4b:s14+s3] =	stream.linear.scatter [tilespmem:s9], [sflag:$0x3], $0x1900, $0x38;
	[tilespmem:$0x1A900] =	vst v63  }
0x6e: {  	_ =	swait.ge [sflag:s22], $0x1900  }
0x6f: {  	s17 =	rddreg [dreg:$0x6];
	[sflag:s22] =	ssyncset.done $0x0  }
0x70: {  	[sflag:s22] =	ssyncadd.s32 $0xFFFFE700;
	s14 =	sadd.s32 $0x0, s17  }
0x71: {  	[hbm4b:s14+s3] =	stream.linear.scatter [tilespmem:s10], [sflag:$0x3], $0x1900, $0x38;
	[tilespmem:$0x1A900] =	vst v63  }
0x72: {  	_ =	swait.ge [sflag:s22], $0x1900  }
0x73: {  	s18 =	rddreg [dreg:$0x5];
	[sflag:s22] =	ssyncset.done $0x0  }
0x74: {  	[sflag:s22] =	ssyncadd.s32 $0xFFFFE700;
	s14 =	sadd.s32 $0x0, s18  }
0x75: {  	[hbm4b:s14+s3] =	stream.linear.scatter [tilespmem:s11], [sflag:$0x3], $0x1900, $0x38;
	[tilespmem:$0x1A900] =	vst v63  }
0x76: {  	_ =	swait.ge [sflag:s22], $0x1900  }
0x77: {  	s19 =	rddreg [dreg:$0x4];
	[sflag:s22] =	ssyncset.done $0x0  }
0x78: {  	[sflag:s22] =	ssyncadd.s32 $0xFFFFE700;
	s14 =	sadd.s32 $0x0, s19  }
0x79: {  	[hbm4b:s14+s3] =	stream.linear.scatter [tilespmem:s12], [sflag:$0x3], $0x1900, $0x38;
	[tilespmem:$0x1A900] =	vst v63  }
0x7a: {  	_ =	swait.ge [sflag:s22], $0x1900  }
0x7b: {  	s15 =	simm.s32 $0x3800;
	[sflag:s22] =	ssyncset.done $0x0  }
0x7c: {  	s16 =	simm.s32 $0x7D0;
	s14 =	simm.s32 $0x4B0;
	[sflag:s22] =	ssyncadd.s32 $0xFFFFE700  }
.LBB2_2:
0x7d: {  	[tilespmem:s25], [sflag:$0x2] =	stream.indirect.gather [hbm4b:s2+s23], $0x80, s14, s23, $0xb8;
	[tilespmem:$0x1A900] =	vst v63  }
0x7e: {  	_ =	swait.ge [sflag:s26], $0xC800  }
0x7f: {  	s17 =	smov.u32 s15;
	s18 =	rddreg [dreg:$0xa];
	[sflag:s26] =	ssyncset.done $0x0  }
0x80: {  	[sflag:s26] =	ssyncadd.s32 $0xFFFF3800;
	s18 =	sadd.s32 s17, s18  }
0x81: {  	[hbm4b:s18+s3] =	stream.linear.scatter [tilespmem:s24], [sflag:$0x3], $0x1900, $0x38;
	[tilespmem:$0x1A900] =	vst v63  }
0x82: {  	_ =	swait.ge [sflag:s22], $0x1900  }
0x83: {  	[sflag:s22] =	ssyncset.done $0x0  }
0x84: {  	s19 =	sadd.s32 $0x380, s18;
	[sflag:s22] =	ssyncadd.s32 $0xFFFFE700  }
0x85: {  	[hbm4b:s19+s3] =	stream.linear.scatter [tilespmem:s28], [sflag:$0x3], $0x1900, $0x38;
	[tilespmem:$0x1A900] =	vst v63  }
0x86: {  	_ =	swait.ge [sflag:s22], $0x1900  }
0x87: {  	[sflag:s22] =	ssyncset.done $0x0  }
0x88: {  	s19 =	sadd.s32 $0x700, s18;
	[sflag:s22] =	ssyncadd.s32 $0xFFFFE700  }
0x89: {  	[hbm4b:s19+s3] =	stream.linear.scatter [tilespmem:s29], [sflag:$0x3], $0x1900, $0x38;
	[tilespmem:$0x1A900] =	vst v63  }
0x8a: {  	_ =	swait.ge [sflag:s22], $0x1900  }
0x8b: {  	s19 =	rddreg [dreg:$0xf];
	[sflag:s22] =	ssyncset.done $0x0  }
0x8c: {  	[sflag:s22] =	ssyncadd.s32 $0xFFFFE700;
	s19 =	sadd.s32 s17, s19  }
0x8d: {  	[hbm4b:s19+s3] =	stream.linear.scatter [tilespmem:s30], [sflag:$0x3], $0x1900, $0x38;
	[tilespmem:$0x1A900] =	vst v63  }
0x8e: {  	_ =	swait.ge [sflag:s22], $0x1900  }
0x8f: {  	s19 =	rddreg [dreg:$0xe];
	[sflag:s22] =	ssyncset.done $0x0  }
0x90: {  	[sflag:s22] =	ssyncadd.s32 $0xFFFFE700;
	s19 =	sadd.s32 s17, s19  }
0x91: {  	[hbm4b:s19+s3] =	stream.linear.scatter [tilespmem:s31], [sflag:$0x3], $0x1900, $0x38;
	[tilespmem:$0x1A900] =	vst v63  }
0x92: {  	_ =	swait.ge [sflag:s22], $0x1900  }
0x93: {  	s19 =	rddreg [dreg:$0xd];
	[sflag:s22] =	ssyncset.done $0x0  }
0x94: {  	[sflag:s22] =	ssyncadd.s32 $0xFFFFE700;
	s19 =	sadd.s32 s17, s19  }
0x95: {  	[hbm4b:s19+s3] =	stream.linear.scatter [tilespmem:s1], [sflag:$0x3], $0x1900, $0x38;
	[tilespmem:$0x1A900] =	vst v63  }
0x96: {  	_ =	swait.ge [sflag:s22], $0x1900  }
0x97: {  	s19 =	rddreg [dreg:$0xc];
	[sflag:s22] =	ssyncset.done $0x0  }
0x98: {  	[sflag:s22] =	ssyncadd.s32 $0xFFFFE700;
	s19 =	sadd.s32 s17, s19  }
0x99: {  	[hbm4b:s19+s3] =	stream.linear.scatter [tilespmem:s0], [sflag:$0x3], $0x1900, $0x38;
	[tilespmem:$0x1A900] =	vst v63  }
0x9a: {  	_ =	swait.ge [sflag:s22], $0x1900  }
0x9b: {  	s19 =	rddreg [dreg:$0xb];
	[sflag:s22] =	ssyncset.done $0x0  }
0x9c: {  	[sflag:s22] =	ssyncadd.s32 $0xFFFFE700;
	s19 =	sadd.s32 s17, s19  }
0x9d: {  	[hbm4b:s19+s3] =	stream.linear.scatter [tilespmem:s4], [sflag:$0x3], $0x1900, $0x38;
	[tilespmem:$0x1A900] =	vst v63  }
0x9e: {  	_ =	swait.ge [sflag:s22], $0x1900  }
0x9f: {  	[sflag:s22] =	ssyncset.done $0x0  }
0xa0: {  	s19 =	sadd.s32 $0xFFFFFE70, s16;
	[sflag:s22] =	ssyncadd.s32 $0xFFFFE700  }
0xa1: {  	[tilespmem:s24], [sflag:$0x1] =	stream.indirect.gather [hbm4b:s2+s23], $0x80, s19, s23, $0xb8;
	[tilespmem:$0x1A900] =	vst v63  }
0xa2: {  	_ =	swait.ge [sflag:s5], $0xC800  }
0xa3: {  	[sflag:s5] =	ssyncset.done $0x0  }
0xa4: {  	s19 =	sadd.s32 $0x1C00, s18;
	[sflag:s5] =	ssyncadd.s32 $0xFFFF3800  }
0xa5: {  	[hbm4b:s19+s3] =	stream.linear.scatter [tilespmem:s25], [sflag:$0x3], $0x1900, $0x38;
	[tilespmem:$0x1A900] =	vst v63  }
0xa6: {  	_ =	swait.ge [sflag:s22], $0x1900  }
0xa7: {  	[sflag:s22] =	ssyncset.done $0x0  }
0xa8: {  	s18 =	sadd.s32 $0x1F80, s18;
	[sflag:s22] =	ssyncadd.s32 $0xFFFFE700  }
0xa9: {  	[hbm4b:s18+s3] =	stream.linear.scatter [tilespmem:s6], [sflag:$0x3], $0x1900, $0x38;
	[tilespmem:$0x1A900] =	vst v63  }
0xaa: {  	_ =	swait.ge [sflag:s22], $0x1900  }
0xab: {  	s19 =	rddreg [dreg:$0x9];
	[sflag:s22] =	ssyncset.done $0x0  }
0xac: {  	[sflag:s22] =	ssyncadd.s32 $0xFFFFE700;
	s18 =	sadd.s32 s17, s19  }
0xad: {  	[hbm4b:s18+s3] =	stream.linear.scatter [tilespmem:s7], [sflag:$0x3], $0x1900, $0x38;
	[tilespmem:$0x1A900] =	vst v63  }
0xae: {  	_ =	swait.ge [sflag:s22], $0x1900  }
0xaf: {  	s19 =	rddreg [dreg:$0x8];
	[sflag:s22] =	ssyncset.done $0x0  }
0xb0: {  	[sflag:s22] =	ssyncadd.s32 $0xFFFFE700;
	s18 =	sadd.s32 s17, s19  }
0xb1: {  	[hbm4b:s18+s3] =	stream.linear.scatter [tilespmem:s8], [sflag:$0x3], $0x1900, $0x38;
	[tilespmem:$0x1A900] =	vst v63  }
0xb2: {  	_ =	swait.ge [sflag:s22], $0x1900  }
0xb3: {  	s19 =	rddreg [dreg:$0x7];
	[sflag:s22] =	ssyncset.done $0x0  }
0xb4: {  	[sflag:s22] =	ssyncadd.s32 $0xFFFFE700;
	s18 =	sadd.s32 s17, s19  }
0xb5: {  	[hbm4b:s18+s3] =	stream.linear.scatter [tilespmem:s9], [sflag:$0x3], $0x1900, $0x38;
	[tilespmem:$0x1A900] =	vst v63  }
0xb6: {  	_ =	swait.ge [sflag:s22], $0x1900  }
0xb7: {  	s19 =	rddreg [dreg:$0x6];
	[sflag:s22] =	ssyncset.done $0x0  }
0xb8: {  	[sflag:s22] =	ssyncadd.s32 $0xFFFFE700;
	s18 =	sadd.s32 s17, s19  }
0xb9: {  	[hbm4b:s18+s3] =	stream.linear.scatter [tilespmem:s10], [sflag:$0x3], $0x1900, $0x38;
	[tilespmem:$0x1A900] =	vst v63  }
0xba: {  	_ =	swait.ge [sflag:s22], $0x1900  }
0xbb: {  	s19 =	rddreg [dreg:$0x5];
	[sflag:s22] =	ssyncset.done $0x0  }
0xbc: {  	[sflag:s22] =	ssyncadd.s32 $0xFFFFE700;
	s18 =	sadd.s32 s17, s19  }
0xbd: {  	[hbm4b:s18+s3] =	stream.linear.scatter [tilespmem:s11], [sflag:$0x3], $0x1900, $0x38;
	[tilespmem:$0x1A900] =	vst v63  }
0xbe: {  	_ =	swait.ge [sflag:s22], $0x1900  }
0xbf: {  	p0 =	sne.s32 s15, $0x15000;
	s19 =	rddreg [dreg:$0x4];
	[sflag:s22] =	ssyncset.done $0x0  }
.Ltmp0:
0xc0: {  	[sflag:s22] =	ssyncadd.s32 $0xFFFFE700;
	s17 =	sadd.s32 s17, s19;
	(pc) =	sbr.rel @p0 .LBB2_2-.Ltmp0, $4  }
0xc1: {  	[hbm4b:s17+s3] =	stream.linear.scatter [tilespmem:s12], [sflag:$0x3], $0x1900, $0x38;
	[tilespmem:$0x1A900] =	vst v63  }
0xc2: {  	_ =	swait.ge [sflag:s22], $0x1900  }
0xc3: {  	s14 =	smov.u32 s16;
	[sflag:s22] =	ssyncset.done $0x0  }
0xc4: {  	s15 =	sadd.s32 $0x3800, s15;
	s16 =	sadd.s32 $0x320, s16;
	[sflag:s22] =	ssyncadd.s32 $0xFFFFE700  }
0xc5: {  	[tilespmem:s25], [sflag:$0x2] =	stream.indirect.gather [hbm4b:s2+s23], $0x80, s14, s23, $0xb8;
	[tilespmem:$0x1A900] =	vst v63  }
0xc6: {  	_ =	swait.ge [sflag:s26], $0xC800  }
0xc7: {  	[sflag:s26] =	ssyncset.done $0x0  }
0xc8: {  	s15 =	rddreg [dreg:$0x11];
	[sflag:s26] =	ssyncadd.s32 $0xFFFF3800  }
0xc9: {  	[hbm4b:s15+s3] =	stream.linear.scatter [tilespmem:s24], [sflag:$0x3], $0x1900, $0x38;
	[tilespmem:$0x1A900] =	vst v63  }
0xca: {  	_ =	swait.ge [sflag:s22], $0x1900  }
0xcb: {  	[sflag:s22] =	ssyncset.done $0x0  }
0xcc: {  	s16 =	rddreg [dreg:$0x12];
	[sflag:s22] =	ssyncadd.s32 $0xFFFFE700  }
0xcd: {  	[hbm4b:s16+s3] =	stream.linear.scatter [tilespmem:s28], [sflag:$0x3], $0x1900, $0x38;
	[tilespmem:$0x1A900] =	vst v63  }
0xce: {  	_ =	swait.ge [sflag:s22], $0x1900  }
0xcf: {  	[sflag:s22] =	ssyncset.done $0x0  }
0xd0: {  	s17 =	rddreg [dreg:$0x13];
	[sflag:s22] =	ssyncadd.s32 $0xFFFFE700  }
0xd1: {  	[hbm4b:s17+s3] =	stream.linear.scatter [tilespmem:s29], [sflag:$0x3], $0x1900, $0x38;
	[tilespmem:$0x1A900] =	vst v63  }
0xd2: {  	_ =	swait.ge [sflag:s22], $0x1900  }
0xd3: {  	[sflag:s22] =	ssyncset.done $0x0  }
0xd4: {  	s18 =	rddreg [dreg:$0x14];
	[sflag:s22] =	ssyncadd.s32 $0xFFFFE700  }
0xd5: {  	[hbm4b:s18+s3] =	stream.linear.scatter [tilespmem:s30], [sflag:$0x3], $0x1900, $0x38;
	[tilespmem:$0x1A900] =	vst v63  }
0xd6: {  	_ =	swait.ge [sflag:s22], $0x1900  }
0xd7: {  	[sflag:s22] =	ssyncset.done $0x0  }
0xd8: {  	s19 =	rddreg [dreg:$0x15];
	[sflag:s22] =	ssyncadd.s32 $0xFFFFE700  }
0xd9: {  	[hbm4b:s19+s3] =	stream.linear.scatter [tilespmem:s31], [sflag:$0x3], $0x1900, $0x38;
	[tilespmem:$0x1A900] =	vst v63  }
0xda: {  	_ =	swait.ge [sflag:s22], $0x1900  }
0xdb: {  	[sflag:s22] =	ssyncset.done $0x0  }
0xdc: {  	s15 =	rddreg [dreg:$0x16];
	[sflag:s22] =	ssyncadd.s32 $0xFFFFE700  }
0xdd: {  	[hbm4b:s15+s3] =	stream.linear.scatter [tilespmem:s1], [sflag:$0x3], $0x1900, $0x38;
	[tilespmem:$0x1A900] =	vst v63  }
0xde: {  	_ =	swait.ge [sflag:s22], $0x1900  }
0xdf: {  	[sflag:s22] =	ssyncset.done $0x0  }
0xe0: {  	s16 =	rddreg [dreg:$0x17];
	[sflag:s22] =	ssyncadd.s32 $0xFFFFE700  }
0xe1: {  	[hbm4b:s16+s3] =	stream.linear.scatter [tilespmem:s0], [sflag:$0x3], $0x1900, $0x38;
	[tilespmem:$0x1A900] =	vst v63  }
0xe2: {  	_ =	swait.ge [sflag:s22], $0x1900  }
0xe3: {  	[sflag:s22] =	ssyncset.done $0x0  }
0xe4: {  	s17 =	rddreg [dreg:$0x18];
	[sflag:s22] =	ssyncadd.s32 $0xFFFFE700  }
0xe5: {  	[hbm4b:s17+s3] =	stream.linear.scatter [tilespmem:s4], [sflag:$0x3], $0x1900, $0x38;
	[tilespmem:$0x1A900] =	vst v63  }
0xe6: {  	_ =	swait.ge [sflag:s22], $0x1900  }
0xe7: {  	[sflag:s22] =	ssyncset.done $0x0  }
0xe8: {  	[sflag:s22] =	ssyncadd.s32 $0xFFFFE700  }
0xe9: {  	_ =	swait.ge [sflag:s5], $0xC800  }
0xea: {  	[sflag:s5] =	ssyncset.done $0x0  }
0xeb: {  	s18 =	rddreg [dreg:$0x19];
	[sflag:s5] =	ssyncadd.s32 $0xFFFF3800  }
0xec: {  	[hbm4b:s18+s3] =	stream.linear.scatter [tilespmem:s25], [sflag:$0x3], $0x1900, $0x38;
	[tilespmem:$0x1A900] =	vst v63  }
0xed: {  	_ =	swait.ge [sflag:s22], $0x1900  }
0xee: {  	[sflag:s22] =	ssyncset.done $0x0  }
0xef: {  	s19 =	rddreg [dreg:$0x1a];
	[sflag:s22] =	ssyncadd.s32 $0xFFFFE700  }
0xf0: {  	[hbm4b:s19+s3] =	stream.linear.scatter [tilespmem:s6], [sflag:$0x3], $0x1900, $0x38;
	[tilespmem:$0x1A900] =	vst v63  }
0xf1: {  	_ =	swait.ge [sflag:s22], $0x1900  }
0xf2: {  	[sflag:s22] =	ssyncset.done $0x0  }
0xf3: {  	s15 =	rddreg [dreg:$0x1b];
	[sflag:s22] =	ssyncadd.s32 $0xFFFFE700  }
0xf4: {  	[hbm4b:s15+s3] =	stream.linear.scatter [tilespmem:s7], [sflag:$0x3], $0x1900, $0x38;
	[tilespmem:$0x1A900] =	vst v63  }
0xf5: {  	_ =	swait.ge [sflag:s22], $0x1900  }
0xf6: {  	[sflag:s22] =	ssyncset.done $0x0  }
0xf7: {  	s16 =	rddreg [dreg:$0x1c];
	[sflag:s22] =	ssyncadd.s32 $0xFFFFE700  }
0xf8: {  	[hbm4b:s16+s3] =	stream.linear.scatter [tilespmem:s8], [sflag:$0x3], $0x1900, $0x38;
	[tilespmem:$0x1A900] =	vst v63  }
0xf9: {  	_ =	swait.ge [sflag:s22], $0x1900  }
0xfa: {  	[sflag:s22] =	ssyncset.done $0x0  }
0xfb: {  	s17 =	rddreg [dreg:$0x1d];
	[sflag:s22] =	ssyncadd.s32 $0xFFFFE700  }
0xfc: {  	[hbm4b:s17+s3] =	stream.linear.scatter [tilespmem:s9], [sflag:$0x3], $0x1900, $0x38;
	[tilespmem:$0x1A900] =	vst v63  }
0xfd: {  	_ =	swait.ge [sflag:s22], $0x1900  }
0xfe: {  	[sflag:s22] =	ssyncset.done $0x0  }
0xff: {  	s18 =	rddreg [dreg:$0x1e];
	[sflag:s22] =	ssyncadd.s32 $0xFFFFE700  }
0x100: {  	[hbm4b:s18+s3] =	stream.linear.scatter [tilespmem:s10], [sflag:$0x3], $0x1900, $0x38;
	[tilespmem:$0x1A900] =	vst v63  }
0x101: {  	_ =	swait.ge [sflag:s22], $0x1900  }
0x102: {  	[sflag:s22] =	ssyncset.done $0x0  }
0x103: {  	s19 =	rddreg [dreg:$0x1f];
	[sflag:s22] =	ssyncadd.s32 $0xFFFFE700  }
0x104: {  	[hbm4b:s19+s3] =	stream.linear.scatter [tilespmem:s11], [sflag:$0x3], $0x1900, $0x38;
	[tilespmem:$0x1A900] =	vst v63  }
0x105: {  	s13 =	sadd.s32 $0x1, s13;
	_ =	swait.ge [sflag:s22], $0x1900  }
0x106: {  	p0 =	sne.s32 s13, s21;
	[sflag:s22] =	ssyncset.done $0x0  }
.Ltmp1:
0x107: {  	[sflag:s22] =	ssyncadd.s32 $0xFFFFE700;
	(pc) =	sbr.rel @p0 .LBB2_1-.Ltmp1, $4  }
0x108: {  	[hbm4b:s20+s3] =	stream.linear.scatter [tilespmem:s12], [sflag:$0x3], $0x1900, $0x38;
	[tilespmem:$0x1A900] =	vst v63  }
0x109: {  	_ =	swait.ge [sflag:s22], $0x1900  }
0x10a: {  	[sflag:s22] =	ssyncset.done $0x0  }
0x10b: {  	[sflag:s22] =	ssyncadd.s32 $0xFFFFE700  }
0x10c: {  	_ =	sfence.sel $0x180000  }
0x10d: {  	[bflag:$0x0] =	sbarrier.arrive $0xFFFF  }
0x10e: {  	_ =	strace $0x90000047  }
0x10f: {  	s0 =	stileid.u32;
	[bflag:$0x2] =	sbarrier.arrive $0xFFFF  }
0x110: {  	p0 =	sne.s32 s0, $0x0;
	s0 =	rddreg [dreg:$0x3]  }
0x111: {  	s0 =	sadd.s32 @!p0 $0x100000, s0  }
0x112: {  	[sflag:s0] =	ssyncadd.tile.s32 @!p0 $0x1;
	_ =	shalt  }
.Lfunc_end2:
_tile_overlayer_lowered:
.L_overlay_start_2:
0x113: {  	(tag) =	ssettag $0x2  }
0x114: {  	s0 =	rddreg [dreg:$0x0];
	s2 =	stileid.u32  }
0x115: {  	s1 =	rddreg [dreg:$0x1];
	p0 =	sne.s32 s2, $0x0  }
0x116: {  	s3 =	rddreg [dreg:$0x2];
	[bflag:$0x3] =	sbarrier.arrive $0xFFFF;
	s2 =	simm.s32 @!p0 $0x1C03  }
0x117: {  	[timem:s3], [sflag:s2] =	dma.local @!p0 [hbm:s0], s1  }
0x118: {  	s0 =	simm.s32 @!p0 $0x3  }
0x119: {  	_ =	swait.ge @!p0 [sflag:s0], s1  }
0x11a: {  	s1 =	ssub.s32 @!p0 $0x0, s1;
	[sflag:s0] =	ssyncset.done @!p0 $0x0  }
0x11b: {  	[sflag:s0] =	ssyncadd.s32 @!p0 s1  }
0x11c: {  	[bflag:$0x3] =	sbarrier.arrive $0xFFFF  }
0x11d: {  	_ =	shalt  }

</sc_bundles>
